<compile_context>
chip_gen: v7x
topology: tpu7x:2x2x1
jax: 0.10.2.dev20260603
libtpu: 0.0.44.dev20260713+nightly
codegen_flags: <defaults>
</compile_context>

<pallas_src>
import functools

import jax
import jax.numpy as jnp
from jax import lax
from jax.experimental import pallas as pl
from jax.experimental.pallas import tpu as pltpu
from jax.experimental.pallas import tpu_sc as plsc

_B = 4096
_D = 128
_S = 16384
_TEMP = 0.05
_INV_TEMP = 1.0 / _TEMP
_LOG2E = 1.4426950408889634
_SHIFT2 = _INV_TEMP * _LOG2E

_BB = 1024
_SC = 2048
_NB = _B // _BB
_NS = _S // _SC

_NC = 2
_NSUB = 16
_NW = _NC * _NSUB
_BPW = _B // _NW


def _logz_kernel(x_ref, f_ref, out_ref):
    i = pl.program_id(0)
    x = x_ref[...]
    nrm = jnp.sqrt(jnp.sum(x * x, axis=1, keepdims=True))
    xs = (x / jnp.maximum(nrm, 1e-12) * (_INV_TEMP * _LOG2E)).astype(jnp.bfloat16)

    acc = jnp.zeros((_BB, 1), jnp.float32)
    for j in range(_NS):
        f = f_ref[pl.ds(j * _SC, _SC), :].astype(jnp.bfloat16)
        l2 = jax.lax.dot_general(
            xs, f, (((1,), (1,)), ((), ())),
            preferred_element_type=jnp.float32)
        acc = acc + jnp.sum(jnp.exp2(l2), axis=1, keepdims=True)

    partial = jnp.sum(jnp.log(acc)).reshape(1, 1)

    @pl.when(i == 0)
    def _():
        out_ref[...] = partial

    @pl.when(i > 0)
    def _():
        out_ref[...] = out_ref[...] + partial


def _tc_logz_sum(x, features):
    out = pl.pallas_call(
        _logz_kernel,
        grid=(_NB,),
        in_specs=[
            pl.BlockSpec((_BB, _D), lambda i: (i, 0)),
            pl.BlockSpec((_S, _D), lambda i: (0, 0)),
        ],
        out_specs=pl.BlockSpec((1, 1), lambda i: (0, 0)),
        out_shape=jax.ShapeDtypeStruct((1, 1), jnp.float32),
    )(x, features)
    return out[0, 0]


def _sc_tgt_kernel(x_hbm, t_hbm, f_hbm, out_hbm,
                   idx_v, xr_v, gr_v, acc_v, sem):
    c = lax.axis_index("c")
    s = lax.axis_index("s")
    wid = s * _NC + c
    base = wid * _BPW
    pltpu.sync_copy(t_hbm.at[pl.ds(base, _BPW)], idx_v)
    cp = pltpu.async_copy(f_hbm.at[idx_v], gr_v, sem)
    pltpu.sync_copy(x_hbm.at[pl.ds(base, _BPW)], xr_v)
    cp.wait()

    def _lane_sum(v):
        t = v[0] + v[1]
        for k in range(2, 16):
            t = t + v[k]
        return t

    def row_body(r, tot):
        dot = jnp.zeros((16,), jnp.float32)
        ssq = jnp.zeros((16,), jnp.float32)
        for cc in range(_D // 16):
            xv = xr_v[r, pl.ds(cc * 16, 16)]
            gv = gr_v[r, pl.ds(cc * 16, 16)]
            dot = dot + xv * gv
            ssq = ssq + xv * xv
        sd = _lane_sum(dot)
        sq = jnp.maximum(_lane_sum(ssq), 1e-24)
        bits = lax.bitcast_convert_type(sq, jnp.int32)
        bits = jnp.int32(0x5F3759DF) - lax.shift_right_logical(bits, 1)
        y = lax.bitcast_convert_type(bits, jnp.float32)
        for _ in range(3):
            y = y * (1.5 - 0.5 * sq * y * y)
        return tot + sd * y

    total = lax.fori_loop(0, _BPW, row_body, jnp.float32(0.0))
    acc_v[...] = jnp.full((16,), 0.0625, jnp.float32) * total
    pltpu.sync_copy(acc_v, out_hbm.at[wid])


def _sc_tgt_sums(x, targets, features):
    mesh = plsc.VectorSubcoreMesh(core_axis_name="c", subcore_axis_name="s")
    run = functools.partial(
        pl.kernel,
        mesh=mesh,
        out_type=jax.ShapeDtypeStruct((_NW, 16), jnp.float32),
        scratch_types=[
            pltpu.VMEM((_BPW,), jnp.int32),
            pltpu.VMEM((_BPW, _D), jnp.float32),
            pltpu.VMEM((_BPW, _D), jnp.float32),
            pltpu.VMEM((16,), jnp.float32),
            pltpu.SemaphoreType.DMA,
        ],
    )(_sc_tgt_kernel)
    return run(x, targets, features)


def kernel(inputs, k_inputs, targets, features):
    del k_inputs
    t32 = targets.astype(jnp.int32)
    tgt_parts = _sc_tgt_sums(inputs, t32, features)
    logz_sum = _tc_logz_sum(inputs, features)
    tgt_sum = jnp.sum(tgt_parts)
    return (logz_sum - _INV_TEMP * tgt_sum) / _B

# --- scband reference (transcript-rebuilt; emitter-appended) ---
"""Pipeline reference for scband-cluster-memory-7164005449845 (READ-ONLY COPY).

The authoritative reference and input builder live on the scoring server;
editing this copy changes nothing except your own understanding.
"""

import jax, jax.numpy as jnp
import numpy as np

B = 4096
D = 128          # num_features
S = 16384        # num_samples (memory bank rows)
TEMP = 0.05


def _l2norm(x, axis=1):
    n = jnp.linalg.norm(x, axis=axis, keepdims=True)
    return x / jnp.clip(n, 1e-12)


def setup_inputs(seed: int = 0) -> dict:
    key = jax.random.key(seed)
    k1, k2, k3, k4 = jax.random.split(key, 4)
    inputs = jax.random.normal(k1, (B, D), dtype=jnp.float32)
    k_inputs = jax.random.normal(k2, (B, D), dtype=jnp.float32)
    targets = jax.random.randint(k3, (B,), 0, S)
    # learned/buffer memory bank 'features' (registered buffer in the module);
    # initialized as unit-norm rows so logits are non-degenerate
    features = _l2norm(jax.random.normal(k4, (S, D), dtype=jnp.float32))
    return {"inputs": inputs, "k_inputs": k_inputs, "targets": targets, "features": features}


def reference(inputs, k_inputs, targets, features):
    # inputs = F.normalize(inputs, dim=1)
    x = _l2norm(inputs, axis=1)
    # CM.forward: outputs = inputs.mm(features^T)  (intended semantics; outputs must be [B, num_samples]
    # for the subsequent cross_entropy with `targets`)
    logits = x @ features.T
    # outputs /= self.temp
    logits = logits / TEMP
    # loss = F.cross_entropy(outputs, targets)
    logz = jax.nn.logsumexp(logits, axis=1)
    tgt_logit = jnp.take_along_axis(logits, targets[:, None], axis=1)[:, 0]
    loss = jnp.mean(logz - tgt_logit)
    return loss

if __name__ == "__main__":
    import jax
    _d = setup_inputs()
    print(jax.jit(kernel)(*tuple(_d.values())))

</pallas_src>

<mosaic_0001>
#map = affine_map<(d0, d1) -> (0, 0)>
#map1 = affine_map<(d0, d1) -> (0)>
module attributes {stable_mosaic.version = 14 : i64} {
  func.func @_sc_tgt_kernel(%arg0: i32, %arg1: i32, %arg2: memref<4096x128xf32, #tpu.memory_space<hbm>>, %arg3: memref<4096xi32, #tpu.memory_space<hbm>>, %arg4: memref<16384x128xf32, #tpu.memory_space<hbm>>, %arg5: memref<32x16xf32, #tpu.memory_space<hbm>>, %arg6: memref<128xi32, #tpu.memory_space<vmem>>, %arg7: memref<128x128xf32, #tpu.memory_space<vmem>>, %arg8: memref<128x128xf32, #tpu.memory_space<vmem>>, %arg9: memref<16xf32, #tpu.memory_space<vmem>>, %arg10: memref<!tpu.dma_semaphore, #tpu.memory_space<semaphore_mem>>) attributes {dimension_semantics = [#tpu.dimension_semantics<core_parallel>, #tpu.dimension_semantics<subcore_parallel>], iteration_bounds = array<i64: 2, 16>, scalar_prefetch = 0 : i64, scratch_operands = 5 : i64, tpu.core_type = #tpu.core_type<sc_vector_subcore>, window_params = [{transform_indices = #map}, {transform_indices = #map1}, {transform_indices = #map}, {transform_indices = #map}]} {
    %mul3A = arith.constant 2 : i32
    %mul3A_0 = arith.muli %arg1, %mul3A : i32
    %add3A = arith.addi %mul3A_0, %arg0 : i32
    %mul3A_1 = arith.constant 128 : i32
    %mul3A_2 = arith.muli %add3A, %mul3A_1 : i32
    "tpu.region"() ({
      %run_scoped3A = tpu.sem_alloc : memref<!tpu.dma_semaphore, #tpu.memory_space<semaphore_mem>>
      %dma_start3A_19 = tpu.memref_slice %arg3[%mul3A_2] : memref<4096xi32, #tpu.memory_space<hbm>> -> memref<128xi32, #tpu.memory_space<hbm>>
      %dma_start3A_20 = tpu.memref_slice %arg3[%mul3A_2] : memref<4096xi32, #tpu.memory_space<hbm>> -> memref<128xi32, #tpu.memory_space<hbm>>
      tpu.enqueue_dma source(%dma_start3A_20 : memref<128xi32, #tpu.memory_space<hbm>>) target(%arg6 : memref<128xi32, #tpu.memory_space<vmem>>) target_semaphore(%run_scoped3A : memref<!tpu.dma_semaphore, #tpu.memory_space<semaphore_mem>>)
      %dma_wait3A_21 = tpu.memref_slice %arg3[%mul3A_2] : memref<4096xi32, #tpu.memory_space<hbm>> -> memref<128xi32, #tpu.memory_space<hbm>>
      %dma_wait3A_22 = tpu.memref_slice %arg3[%mul3A_2] : memref<4096xi32, #tpu.memory_space<hbm>> -> memref<128xi32, #tpu.memory_space<hbm>>
      tpu.wait_dma2 semaphore(%run_scoped3A : memref<!tpu.dma_semaphore, #tpu.memory_space<semaphore_mem>>) src(%dma_wait3A_22 : memref<128xi32, #tpu.memory_space<hbm>>) dst(%arg6 : memref<128xi32, #tpu.memory_space<vmem>>)
      tpu.yield
    }) : () -> ()
    %dma_start3A = arith.constant 0 : i32
    %dma_start3A_3 = arith.constant 0 : i32
    %dma_start3A_4 = tpu.memref_slice %arg4[%dma_start3A, %dma_start3A_3] : memref<16384x128xf32, #tpu.memory_space<hbm>> -> memref<16384x128xf32, #tpu.memory_space<hbm>>
    tpu.enqueue_indirect_dma source(%dma_start3A_4 : memref<16384x128xf32, #tpu.memory_space<hbm>>) target(%arg8 : memref<128x128xf32, #tpu.memory_space<vmem>>) offsets(%arg6 : memref<128xi32, #tpu.memory_space<vmem>>) semaphore(%arg10 : memref<!tpu.dma_semaphore, #tpu.memory_space<semaphore_mem>>)
    "tpu.region"() ({
      %run_scoped3A = tpu.sem_alloc : memref<!tpu.dma_semaphore, #tpu.memory_space<semaphore_mem>>
      %dma_start3A_19 = arith.constant 0 : i32
      %dma_start3A_20 = tpu.memref_slice %arg2[%mul3A_2, %dma_start3A_19] : memref<4096x128xf32, #tpu.memory_space<hbm>> -> memref<128x128xf32, #tpu.memory_space<hbm>>
      %dma_start3A_21 = arith.constant 0 : i32
      %dma_start3A_22 = tpu.memref_slice %arg2[%mul3A_2, %dma_start3A_21] : memref<4096x128xf32, #tpu.memory_space<hbm>> -> memref<128x128xf32, #tpu.memory_space<hbm>>
      tpu.enqueue_dma source(%dma_start3A_22 : memref<128x128xf32, #tpu.memory_space<hbm>>) target(%arg7 : memref<128x128xf32, #tpu.memory_space<vmem>>) target_semaphore(%run_scoped3A : memref<!tpu.dma_semaphore, #tpu.memory_space<semaphore_mem>>)
      %dma_wait3A_23 = arith.constant 0 : i32
      %dma_wait3A_24 = tpu.memref_slice %arg2[%mul3A_2, %dma_wait3A_23] : memref<4096x128xf32, #tpu.memory_space<hbm>> -> memref<128x128xf32, #tpu.memory_space<hbm>>
      %dma_wait3A_25 = arith.constant 0 : i32
      %dma_wait3A_26 = tpu.memref_slice %arg2[%mul3A_2, %dma_wait3A_25] : memref<4096x128xf32, #tpu.memory_space<hbm>> -> memref<128x128xf32, #tpu.memory_space<hbm>>
      tpu.wait_dma2 semaphore(%run_scoped3A : memref<!tpu.dma_semaphore, #tpu.memory_space<semaphore_mem>>) src(%dma_wait3A_26 : memref<128x128xf32, #tpu.memory_space<hbm>>) dst(%arg7 : memref<128x128xf32, #tpu.memory_space<vmem>>)
      tpu.yield
    }) : () -> ()
    %dma_wait3A = arith.constant 0 : i32
    %dma_wait3A_5 = arith.constant 0 : i32
    %dma_wait3A_6 = tpu.memref_slice %arg4[%dma_wait3A, %dma_wait3A_5] : memref<16384x128xf32, #tpu.memory_space<hbm>> -> memref<16384x128xf32, #tpu.memory_space<hbm>>
    tpu.wait_indirect_dma semaphore(%arg10 : memref<!tpu.dma_semaphore, #tpu.memory_space<semaphore_mem>>) src(%dma_wait3A_6 : memref<16384x128xf32, #tpu.memory_space<hbm>>) dst(%arg8 : memref<128x128xf32, #tpu.memory_space<vmem>>)
    %scan3A = arith.constant 0.000000e+00 : f32
    %scan3A_7 = arith.constant 0 : i32
    %scan3A_8 = arith.constant 128 : i32
    %scan3A_9 = arith.addi %scan3A_7, %scan3A_8 : i32
    %scan3A_10 = arith.constant 1 : i32
    %scan3A_11 = scf.for %scan3A_19 = %scan3A_7 to %scan3A_9 step %scan3A_10 iter_args(%scan3A_20 = %scan3A) -> (f32)  : i32 {
      %broadcast_in_dim3A_21 = arith.constant 0.000000e+00 : f32
      %broadcast_in_dim3A_22 = vector.broadcast %broadcast_in_dim3A_21 : f32 to vector<16xf32>
      %broadcast_in_dim3A_23 = arith.constant 0.000000e+00 : f32
      %broadcast_in_dim3A_24 = vector.broadcast %broadcast_in_dim3A_23 : f32 to vector<16xf32>
      %get3A = arith.index_cast %scan3A_19 : i32 to index
      %get3A_25 = arith.constant 0 : index
      %get3A_26 = tpu.vector_load %arg7[%get3A, %get3A_25] {strides = array<i32>} : memref<128x128xf32, #tpu.memory_space<vmem>>, vector<1x16xf32>,
      %get3A_27 = vector.shape_cast %get3A_26 : vector<1x16xf32> to vector<16xf32>
      %get3A_28 = arith.index_cast %scan3A_19 : i32 to index
      %get3A_29 = arith.constant 0 : index
      %get3A_30 = tpu.vector_load %arg8[%get3A_28, %get3A_29] {strides = array<i32>} : memref<128x128xf32, #tpu.memory_space<vmem>>, vector<1x16xf32>,
      %get3A_31 = vector.shape_cast %get3A_30 : vector<1x16xf32> to vector<16xf32>
      %mul3A_32 = arith.mulf %get3A_27, %get3A_31 : vector<16xf32>
      %add3A_33 = arith.addf %broadcast_in_dim3A_22, %mul3A_32 : vector<16xf32>
      %mul3A_34 = arith.mulf %get3A_27, %get3A_27 : vector<16xf32>
      %add3A_35 = arith.addf %broadcast_in_dim3A_24, %mul3A_34 : vector<16xf32>
      %get3A_36 = arith.index_cast %scan3A_19 : i32 to index
      %get3A_37 = arith.constant 16 : index
      %get3A_38 = tpu.vector_load %arg7[%get3A_36, %get3A_37] {strides = array<i32>} : memref<128x128xf32, #tpu.memory_space<vmem>>, vector<1x16xf32>,
      %get3A_39 = vector.shape_cast %get3A_38 : vector<1x16xf32> to vector<16xf32>
      %get3A_40 = arith.index_cast %scan3A_19 : i32 to index
      %get3A_41 = arith.constant 16 : index
      %get3A_42 = tpu.vector_load %arg8[%get3A_40, %get3A_41] {strides = array<i32>} : memref<128x128xf32, #tpu.memory_space<vmem>>, vector<1x16xf32>,
      %get3A_43 = vector.shape_cast %get3A_42 : vector<1x16xf32> to vector<16xf32>
      %mul3A_44 = arith.mulf %get3A_39, %get3A_43 : vector<16xf32>
      %add3A_45 = arith.addf %add3A_33, %mul3A_44 : vector<16xf32>
      %mul3A_46 = arith.mulf %get3A_39, %get3A_39 : vector<16xf32>
      %add3A_47 = arith.addf %add3A_35, %mul3A_46 : vector<16xf32>
      %get3A_48 = arith.index_cast %scan3A_19 : i32 to index
      %get3A_49 = arith.constant 32 : index
      %get3A_50 = tpu.vector_load %arg7[%get3A_48, %get3A_49] {strides = array<i32>} : memref<128x128xf32, #tpu.memory_space<vmem>>, vector<1x16xf32>,
      %get3A_51 = vector.shape_cast %get3A_50 : vector<1x16xf32> to vector<16xf32>
      %get3A_52 = arith.index_cast %scan3A_19 : i32 to index
      %get3A_53 = arith.constant 32 : index
      %get3A_54 = tpu.vector_load %arg8[%get3A_52, %get3A_53] {strides = array<i32>} : memref<128x128xf32, #tpu.memory_space<vmem>>, vector<1x16xf32>,
      %get3A_55 = vector.shape_cast %get3A_54 : vector<1x16xf32> to vector<16xf32>
      %mul3A_56 = arith.mulf %get3A_51, %get3A_55 : vector<16xf32>
      %add3A_57 = arith.addf %add3A_45, %mul3A_56 : vector<16xf32>
      %mul3A_58 = arith.mulf %get3A_51, %get3A_51 : vector<16xf32>
      %add3A_59 = arith.addf %add3A_47, %mul3A_58 : vector<16xf32>
      %get3A_60 = arith.index_cast %scan3A_19 : i32 to index
      %get3A_61 = arith.constant 48 : index
      %get3A_62 = tpu.vector_load %arg7[%get3A_60, %get3A_61] {strides = array<i32>} : memref<128x128xf32, #tpu.memory_space<vmem>>, vector<1x16xf32>,
      %get3A_63 = vector.shape_cast %get3A_62 : vector<1x16xf32> to vector<16xf32>
      %get3A_64 = arith.index_cast %scan3A_19 : i32 to index
      %get3A_65 = arith.constant 48 : index
      %get3A_66 = tpu.vector_load %arg8[%get3A_64, %get3A_65] {strides = array<i32>} : memref<128x128xf32, #tpu.memory_space<vmem>>, vector<1x16xf32>,
      %get3A_67 = vector.shape_cast %get3A_66 : vector<1x16xf32> to vector<16xf32>
      %mul3A_68 = arith.mulf %get3A_63, %get3A_67 : vector<16xf32>
      %add3A_69 = arith.addf %add3A_57, %mul3A_68 : vector<16xf32>
      %mul3A_70 = arith.mulf %get3A_63, %get3A_63 : vector<16xf32>
      %add3A_71 = arith.addf %add3A_59, %mul3A_70 : vector<16xf32>
      %get3A_72 = arith.index_cast %scan3A_19 : i32 to index
      %get3A_73 = arith.constant 64 : index
      %get3A_74 = tpu.vector_load %arg7[%get3A_72, %get3A_73] {strides = array<i32>} : memref<128x128xf32, #tpu.memory_space<vmem>>, vector<1x16xf32>,
      %get3A_75 = vector.shape_cast %get3A_74 : vector<1x16xf32> to vector<16xf32>
      %get3A_76 = arith.index_cast %scan3A_19 : i32 to index
      %get3A_77 = arith.constant 64 : index
      %get3A_78 = tpu.vector_load %arg8[%get3A_76, %get3A_77] {strides = array<i32>} : memref<128x128xf32, #tpu.memory_space<vmem>>, vector<1x16xf32>,
      %get3A_79 = vector.shape_cast %get3A_78 : vector<1x16xf32> to vector<16xf32>
      %mul3A_80 = arith.mulf %get3A_75, %get3A_79 : vector<16xf32>
      %add3A_81 = arith.addf %add3A_69, %mul3A_80 : vector<16xf32>
      %mul3A_82 = arith.mulf %get3A_75, %get3A_75 : vector<16xf32>
      %add3A_83 = arith.addf %add3A_71, %mul3A_82 : vector<16xf32>
      %get3A_84 = arith.index_cast %scan3A_19 : i32 to index
      %get3A_85 = arith.constant 80 : index
      %get3A_86 = tpu.vector_load %arg7[%get3A_84, %get3A_85] {strides = array<i32>} : memref<128x128xf32, #tpu.memory_space<vmem>>, vector<1x16xf32>,
      %get3A_87 = vector.shape_cast %get3A_86 : vector<1x16xf32> to vector<16xf32>
      %get3A_88 = arith.index_cast %scan3A_19 : i32 to index
      %get3A_89 = arith.constant 80 : index
      %get3A_90 = tpu.vector_load %arg8[%get3A_88, %get3A_89] {strides = array<i32>} : memref<128x128xf32, #tpu.memory_space<vmem>>, vector<1x16xf32>,
      %get3A_91 = vector.shape_cast %get3A_90 : vector<1x16xf32> to vector<16xf32>
      %mul3A_92 = arith.mulf %get3A_87, %get3A_91 : vector<16xf32>
      %add3A_93 = arith.addf %add3A_81, %mul3A_92 : vector<16xf32>
      %mul3A_94 = arith.mulf %get3A_87, %get3A_87 : vector<16xf32>
      %add3A_95 = arith.addf %add3A_83, %mul3A_94 : vector<16xf32>
      %get3A_96 = arith.index_cast %scan3A_19 : i32 to index
      %get3A_97 = arith.constant 96 : index
      %get3A_98 = tpu.vector_load %arg7[%get3A_96, %get3A_97] {strides = array<i32>} : memref<128x128xf32, #tpu.memory_space<vmem>>, vector<1x16xf32>,
      %get3A_99 = vector.shape_cast %get3A_98 : vector<1x16xf32> to vector<16xf32>
      %get3A_100 = arith.index_cast %scan3A_19 : i32 to index
      %get3A_101 = arith.constant 96 : index
      %get3A_102 = tpu.vector_load %arg8[%get3A_100, %get3A_101] {strides = array<i32>} : memref<128x128xf32, #tpu.memory_space<vmem>>, vector<1x16xf32>,
      %get3A_103 = vector.shape_cast %get3A_102 : vector<1x16xf32> to vector<16xf32>
      %mul3A_104 = arith.mulf %get3A_99, %get3A_103 : vector<16xf32>
      %add3A_105 = arith.addf %add3A_93, %mul3A_104 : vector<16xf32>
      %mul3A_106 = arith.mulf %get3A_99, %get3A_99 : vector<16xf32>
      %add3A_107 = arith.addf %add3A_95, %mul3A_106 : vector<16xf32>
      %get3A_108 = arith.index_cast %scan3A_19 : i32 to index
      %get3A_109 = arith.constant 112 : index
      %get3A_110 = tpu.vector_load %arg7[%get3A_108, %get3A_109] {strides = array<i32>} : memref<128x128xf32, #tpu.memory_space<vmem>>, vector<1x16xf32>,
      %get3A_111 = vector.shape_cast %get3A_110 : vector<1x16xf32> to vector<16xf32>
      %get3A_112 = arith.index_cast %scan3A_19 : i32 to index
      %get3A_113 = arith.constant 112 : index
      %get3A_114 = tpu.vector_load %arg8[%get3A_112, %get3A_113] {strides = array<i32>} : memref<128x128xf32, #tpu.memory_space<vmem>>, vector<1x16xf32>,
      %get3A_115 = vector.shape_cast %get3A_114 : vector<1x16xf32> to vector<16xf32>
      %mul3A_116 = arith.mulf %get3A_111, %get3A_115 : vector<16xf32>
      %add3A_117 = arith.addf %add3A_105, %mul3A_116 : vector<16xf32>
      %mul3A_118 = arith.mulf %get3A_111, %get3A_111 : vector<16xf32>
      %add3A_119 = arith.addf %add3A_107, %mul3A_118 : vector<16xf32>
      %slice3A = vector.extract_strided_slice %add3A_117 {offsets = [0], sizes = [1], strides = [1]} : vector<16xf32> to vector<1xf32>
      %squeeze3A = vector.extract %slice3A[0] : f32 from vector<1xf32>
      %slice3A_120 = vector.extract_strided_slice %add3A_117 {offsets = [1], sizes = [1], strides = [1]} : vector<16xf32> to vector<1xf32>
      %squeeze3A_121 = vector.extract %slice3A_120[0] : f32 from vector<1xf32>
      %add3A_122 = arith.addf %squeeze3A, %squeeze3A_121 : f32
      %slice3A_123 = vector.extract_strided_slice %add3A_117 {offsets = [2], sizes = [1], strides = [1]} : vector<16xf32> to vector<1xf32>
      %squeeze3A_124 = vector.extract %slice3A_123[0] : f32 from vector<1xf32>
      %add3A_125 = arith.addf %add3A_122, %squeeze3A_124 : f32
      %slice3A_126 = vector.extract_strided_slice %add3A_117 {offsets = [3], sizes = [1], strides = [1]} : vector<16xf32> to vector<1xf32>
      %squeeze3A_127 = vector.extract %slice3A_126[0] : f32 from vector<1xf32>
      %add3A_128 = arith.addf %add3A_125, %squeeze3A_127 : f32
      %slice3A_129 = vector.extract_strided_slice %add3A_117 {offsets = [4], sizes = [1], strides = [1]} : vector<16xf32> to vector<1xf32>
      %squeeze3A_130 = vector.extract %slice3A_129[0] : f32 from vector<1xf32>
      %add3A_131 = arith.addf %add3A_128, %squeeze3A_130 : f32
      %slice3A_132 = vector.extract_strided_slice %add3A_117 {offsets = [5], sizes = [1], strides = [1]} : vector<16xf32> to vector<1xf32>
      %squeeze3A_133 = vector.extract %slice3A_132[0] : f32 from vector<1xf32>
      %add3A_134 = arith.addf %add3A_131, %squeeze3A_133 : f32
      %slice3A_135 = vector.extract_strided_slice %add3A_117 {offsets = [6], sizes = [1], strides = [1]} : vector<16xf32> to vector<1xf32>
      %squeeze3A_136 = vector.extract %slice3A_135[0] : f32 from vector<1xf32>
      %add3A_137 = arith.addf %add3A_134, %squeeze3A_136 : f32
      %slice3A_138 = vector.extract_strided_slice %add3A_117 {offsets = [7], sizes = [1], strides = [1]} : vector<16xf32> to vector<1xf32>
      %squeeze3A_139 = vector.extract %slice3A_138[0] : f32 from vector<1xf32>
      %add3A_140 = arith.addf %add3A_137, %squeeze3A_139 : f32
      %slice3A_141 = vector.extract_strided_slice %add3A_117 {offsets = [8], sizes = [1], strides = [1]} : vector<16xf32> to vector<1xf32>
      %squeeze3A_142 = vector.extract %slice3A_141[0] : f32 from vector<1xf32>
      %add3A_143 = arith.addf %add3A_140, %squeeze3A_142 : f32
      %slice3A_144 = vector.extract_strided_slice %add3A_117 {offsets = [9], sizes = [1], strides = [1]} : vector<16xf32> to vector<1xf32>
      %squeeze3A_145 = vector.extract %slice3A_144[0] : f32 from vector<1xf32>
      %add3A_146 = arith.addf %add3A_143, %squeeze3A_145 : f32
      %slice3A_147 = vector.extract_strided_slice %add3A_117 {offsets = [10], sizes = [1], strides = [1]} : vector<16xf32> to vector<1xf32>
      %squeeze3A_148 = vector.extract %slice3A_147[0] : f32 from vector<1xf32>
      %add3A_149 = arith.addf %add3A_146, %squeeze3A_148 : f32
      %slice3A_150 = vector.extract_strided_slice %add3A_117 {offsets = [11], sizes = [1], strides = [1]} : vector<16xf32> to vector<1xf32>
      %squeeze3A_151 = vector.extract %slice3A_150[0] : f32 from vector<1xf32>
      %add3A_152 = arith.addf %add3A_149, %squeeze3A_151 : f32
      %slice3A_153 = vector.extract_strided_slice %add3A_117 {offsets = [12], sizes = [1], strides = [1]} : vector<16xf32> to vector<1xf32>
      %squeeze3A_154 = vector.extract %slice3A_153[0] : f32 from vector<1xf32>
      %add3A_155 = arith.addf %add3A_152, %squeeze3A_154 : f32
      %slice3A_156 = vector.extract_strided_slice %add3A_117 {offsets = [13], sizes = [1], strides = [1]} : vector<16xf32> to vector<1xf32>
      %squeeze3A_157 = vector.extract %slice3A_156[0] : f32 from vector<1xf32>
      %add3A_158 = arith.addf %add3A_155, %squeeze3A_157 : f32
      %slice3A_159 = vector.extract_strided_slice %add3A_117 {offsets = [14], sizes = [1], strides = [1]} : vector<16xf32> to vector<1xf32>
      %squeeze3A_160 = vector.extract %slice3A_159[0] : f32 from vector<1xf32>
      %add3A_161 = arith.addf %add3A_158, %squeeze3A_160 : f32
      %slice3A_162 = vector.extract_strided_slice %add3A_117 {offsets = [15], sizes = [1], strides = [1]} : vector<16xf32> to vector<1xf32>
      %squeeze3A_163 = vector.extract %slice3A_162[0] : f32 from vector<1xf32>
      %add3A_164 = arith.addf %add3A_161, %squeeze3A_163 : f32
      %slice3A_165 = vector.extract_strided_slice %add3A_119 {offsets = [0], sizes = [1], strides = [1]} : vector<16xf32> to vector<1xf32>
      %squeeze3A_166 = vector.extract %slice3A_165[0] : f32 from vector<1xf32>
      %slice3A_167 = vector.extract_strided_slice %add3A_119 {offsets = [1], sizes = [1], strides = [1]} : vector<16xf32> to vector<1xf32>
      %squeeze3A_168 = vector.extract %slice3A_167[0] : f32 from vector<1xf32>
      %add3A_169 = arith.addf %squeeze3A_166, %squeeze3A_168 : f32
      %slice3A_170 = vector.extract_strided_slice %add3A_119 {offsets = [2], sizes = [1], strides = [1]} : vector<16xf32> to vector<1xf32>
      %squeeze3A_171 = vector.extract %slice3A_170[0] : f32 from vector<1xf32>
      %add3A_172 = arith.addf %add3A_169, %squeeze3A_171 : f32
      %slice3A_173 = vector.extract_strided_slice %add3A_119 {offsets = [3], sizes = [1], strides = [1]} : vector<16xf32> to vector<1xf32>
      %squeeze3A_174 = vector.extract %slice3A_173[0] : f32 from vector<1xf32>
      %add3A_175 = arith.addf %add3A_172, %squeeze3A_174 : f32
      %slice3A_176 = vector.extract_strided_slice %add3A_119 {offsets = [4], sizes = [1], strides = [1]} : vector<16xf32> to vector<1xf32>
      %squeeze3A_177 = vector.extract %slice3A_176[0] : f32 from vector<1xf32>
      %add3A_178 = arith.addf %add3A_175, %squeeze3A_177 : f32
      %slice3A_179 = vector.extract_strided_slice %add3A_119 {offsets = [5], sizes = [1], strides = [1]} : vector<16xf32> to vector<1xf32>
      %squeeze3A_180 = vector.extract %slice3A_179[0] : f32 from vector<1xf32>
      %add3A_181 = arith.addf %add3A_178, %squeeze3A_180 : f32
      %slice3A_182 = vector.extract_strided_slice %add3A_119 {offsets = [6], sizes = [1], strides = [1]} : vector<16xf32> to vector<1xf32>
      %squeeze3A_183 = vector.extract %slice3A_182[0] : f32 from vector<1xf32>
      %add3A_184 = arith.addf %add3A_181, %squeeze3A_183 : f32
      %slice3A_185 = vector.extract_strided_slice %add3A_119 {offsets = [7], sizes = [1], strides = [1]} : vector<16xf32> to vector<1xf32>
      %squeeze3A_186 = vector.extract %slice3A_185[0] : f32 from vector<1xf32>
      %add3A_187 = arith.addf %add3A_184, %squeeze3A_186 : f32
      %slice3A_188 = vector.extract_strided_slice %add3A_119 {offsets = [8], sizes = [1], strides = [1]} : vector<16xf32> to vector<1xf32>
      %squeeze3A_189 = vector.extract %slice3A_188[0] : f32 from vector<1xf32>
      %add3A_190 = arith.addf %add3A_187, %squeeze3A_189 : f32
      %slice3A_191 = vector.extract_strided_slice %add3A_119 {offsets = [9], sizes = [1], strides = [1]} : vector<16xf32> to vector<1xf32>
      %squeeze3A_192 = vector.extract %slice3A_191[0] : f32 from vector<1xf32>
      %add3A_193 = arith.addf %add3A_190, %squeeze3A_192 : f32
      %slice3A_194 = vector.extract_strided_slice %add3A_119 {offsets = [10], sizes = [1], strides = [1]} : vector<16xf32> to vector<1xf32>
      %squeeze3A_195 = vector.extract %slice3A_194[0] : f32 from vector<1xf32>
      %add3A_196 = arith.addf %add3A_193, %squeeze3A_195 : f32
      %slice3A_197 = vector.extract_strided_slice %add3A_119 {offsets = [11], sizes = [1], strides = [1]} : vector<16xf32> to vector<1xf32>
      %squeeze3A_198 = vector.extract %slice3A_197[0] : f32 from vector<1xf32>
      %add3A_199 = arith.addf %add3A_196, %squeeze3A_198 : f32
      %slice3A_200 = vector.extract_strided_slice %add3A_119 {offsets = [12], sizes = [1], strides = [1]} : vector<16xf32> to vector<1xf32>
      %squeeze3A_201 = vector.extract %slice3A_200[0] : f32 from vector<1xf32>
      %add3A_202 = arith.addf %add3A_199, %squeeze3A_201 : f32
      %slice3A_203 = vector.extract_strided_slice %add3A_119 {offsets = [13], sizes = [1], strides = [1]} : vector<16xf32> to vector<1xf32>
      %squeeze3A_204 = vector.extract %slice3A_203[0] : f32 from vector<1xf32>
      %add3A_205 = arith.addf %add3A_202, %squeeze3A_204 : f32
      %slice3A_206 = vector.extract_strided_slice %add3A_119 {offsets = [14], sizes = [1], strides = [1]} : vector<16xf32> to vector<1xf32>
      %squeeze3A_207 = vector.extract %slice3A_206[0] : f32 from vector<1xf32>
      %add3A_208 = arith.addf %add3A_205, %squeeze3A_207 : f32
      %slice3A_209 = vector.extract_strided_slice %add3A_119 {offsets = [15], sizes = [1], strides = [1]} : vector<16xf32> to vector<1xf32>
      %squeeze3A_210 = vector.extract %slice3A_209[0] : f32 from vector<1xf32>
      %add3A_211 = arith.addf %add3A_208, %squeeze3A_210 : f32
      %max3A = arith.constant 1.000000e-24 : f32
      %max3A_212 = arith.maximumf %add3A_211, %max3A : f32
      %bitcast_convert_type3A = arith.bitcast %max3A_212 : f32 to i32
      %shift_right_logical3A = arith.constant 1 : i32
      %shift_right_logical3A_213 = arith.shrui %bitcast_convert_type3A, %shift_right_logical3A : i32
      %sub3A = arith.constant 1597463007 : i32
      %sub3A_214 = arith.subi %sub3A, %shift_right_logical3A_213 : i32
      %bitcast_convert_type3A_215 = arith.bitcast %sub3A_214 : i32 to f32
      %mul3A_216 = arith.constant 5.000000e-01 : f32
      %mul3A_217 = arith.mulf %mul3A_216, %max3A_212 : f32
      %mul3A_218 = arith.mulf %mul3A_217, %bitcast_convert_type3A_215 : f32
      %mul3A_219 = arith.mulf %mul3A_218, %bitcast_convert_type3A_215 : f32
      %sub3A_220 = arith.constant 1.500000e+00 : f32
      %sub3A_221 = arith.subf %sub3A_220, %mul3A_219 : f32
      %mul3A_222 = arith.mulf %bitcast_convert_type3A_215, %sub3A_221 : f32
      %mul3A_223 = arith.constant 5.000000e-01 : f32
      %mul3A_224 = arith.mulf %mul3A_223, %max3A_212 : f32
      %mul3A_225 = arith.mulf %mul3A_224, %mul3A_222 : f32
      %mul3A_226 = arith.mulf %mul3A_225, %mul3A_222 : f32
      %sub3A_227 = arith.constant 1.500000e+00 : f32
      %sub3A_228 = arith.subf %sub3A_227, %mul3A_226 : f32
      %mul3A_229 = arith.mulf %mul3A_222, %sub3A_228 : f32
      %mul3A_230 = arith.constant 5.000000e-01 : f32
      %mul3A_231 = arith.mulf %mul3A_230, %max3A_212 : f32
      %mul3A_232 = arith.mulf %mul3A_231, %mul3A_229 : f32
      %mul3A_233 = arith.mulf %mul3A_232, %mul3A_229 : f32
      %sub3A_234 = arith.constant 1.500000e+00 : f32
      %sub3A_235 = arith.subf %sub3A_234, %mul3A_233 : f32
      %mul3A_236 = arith.mulf %mul3A_229, %sub3A_235 : f32
      %mul3A_237 = arith.mulf %add3A_164, %mul3A_236 : f32
      %add3A_238 = arith.addf %scan3A_20, %mul3A_237 : f32
      scf.yield %add3A_238 : f32
    }
    %scan3A_12 = arith.constant 128 : i32
    %broadcast_in_dim3A = arith.constant 6.250000e-02 : f32
    %broadcast_in_dim3A_13 = vector.broadcast %broadcast_in_dim3A : f32 to vector<16xf32>
    %mul3A_14 = vector.broadcast %scan3A_11 : f32 to vector<16xf32>
    %mul3A_15 = arith.mulf %broadcast_in_dim3A_13, %mul3A_14 : vector<16xf32>
    %swap3A = arith.constant 0 : index
    %swap3A_16 = tpu.vector_load %arg9[%swap3A] {strides = array<i32>} : memref<16xf32, #tpu.memory_space<vmem>>, vector<16xf32>,
    %swap3A_17 = vector.shape_cast %swap3A_16 : vector<16xf32> to vector<16xf32>
    %swap3A_18 = vector.shape_cast %mul3A_15 : vector<16xf32> to vector<16xf32>
    tpu.vector_store %arg9[%swap3A], %swap3A_18 {strides = array<i32>} : memref<16xf32, #tpu.memory_space<vmem>>, vector<16xf32>,
    "tpu.region"() ({
      %run_scoped3A = tpu.sem_alloc : memref<!tpu.dma_semaphore, #tpu.memory_space<semaphore_mem>>
      %dma_start3A_19 = arith.constant 0 : i32
      %dma_start3A_20 = tpu.memref_slice %arg5[%add3A, %dma_start3A_19] : memref<32x16xf32, #tpu.memory_space<hbm>> -> memref<1x16xf32, #tpu.memory_space<hbm>>
      %dma_start3A_21 = tpu.memref_squeeze %dma_start3A_20 : memref<1x16xf32, #tpu.memory_space<hbm>> -> memref<16xf32, #tpu.memory_space<hbm>>
      %dma_start3A_22 = arith.constant 0 : i32
      %dma_start3A_23 = tpu.memref_slice %arg5[%add3A, %dma_start3A_22] : memref<32x16xf32, #tpu.memory_space<hbm>> -> memref<1x16xf32, #tpu.memory_space<hbm>>
      %dma_start3A_24 = tpu.memref_squeeze %dma_start3A_23 : memref<1x16xf32, #tpu.memory_space<hbm>> -> memref<16xf32, #tpu.memory_space<hbm>>
      tpu.enqueue_dma source(%arg9 : memref<16xf32, #tpu.memory_space<vmem>>) target(%dma_start3A_24 : memref<16xf32, #tpu.memory_space<hbm>>) target_semaphore(%run_scoped3A : memref<!tpu.dma_semaphore, #tpu.memory_space<semaphore_mem>>)
      %dma_wait3A_25 = arith.constant 0 : i32
      %dma_wait3A_26 = tpu.memref_slice %arg5[%add3A, %dma_wait3A_25] : memref<32x16xf32, #tpu.memory_space<hbm>> -> memref<1x16xf32, #tpu.memory_space<hbm>>
      %dma_wait3A_27 = tpu.memref_squeeze %dma_wait3A_26 : memref<1x16xf32, #tpu.memory_space<hbm>> -> memref<16xf32, #tpu.memory_space<hbm>>
      %dma_wait3A_28 = arith.constant 0 : i32
      %dma_wait3A_29 = tpu.memref_slice %arg5[%add3A, %dma_wait3A_28] : memref<32x16xf32, #tpu.memory_space<hbm>> -> memref<1x16xf32, #tpu.memory_space<hbm>>
      %dma_wait3A_30 = tpu.memref_squeeze %dma_wait3A_29 : memref<1x16xf32, #tpu.memory_space<hbm>> -> memref<16xf32, #tpu.memory_space<hbm>>
      tpu.wait_dma2 semaphore(%run_scoped3A : memref<!tpu.dma_semaphore, #tpu.memory_space<semaphore_mem>>) src(%arg9 : memref<16xf32, #tpu.memory_space<vmem>>) dst(%dma_wait3A_30 : memref<16xf32, #tpu.memory_space<hbm>>)
      tpu.yield
    }) : () -> ()
    return
  }
}

module attributes {stable_mosaic.version = 14 : i64} {
  func.func @_logz_kernel(%arg0: i32, %arg1: memref<1024x128xf32, #tpu.memory_space<vmem>>, %arg2: memref<16384x128xf32, #tpu.memory_space<vmem>>, %arg3: memref<1x1xf32, #tpu.memory_space<vmem>>) attributes {dimension_semantics = [#tpu.dimension_semantics<arbitrary>], iteration_bounds = array<i64: 4>, scalar_prefetch = 0 : i64, scratch_operands = 0 : i64, tpu.core_type = #tpu.core_type<tc>, window_params = [{transform_indices = @transform_0, window_bounds = array<i64: 1024, 128>}, {pipeline_mode = #tpu.pipeline_mode<synchronous>, transform_indices = @transform_1, window_bounds = array<i64: 16384, 128>}, {pipeline_mode = #tpu.pipeline_mode<synchronous>, transform_indices = @transform_2, window_bounds = array<i64: 1, 1>}]} {
    %get3A = arith.constant 0 : index
    %get3A_0 = arith.constant 0 : index
    %get3A_1 = vector.load %arg1[%get3A, %get3A_0] : memref<1024x128xf32, #tpu.memory_space<vmem>>, vector<1024x128xf32>
    %mul3A = arith.mulf %get3A_1, %get3A_1 : vector<1024x128xf32>
    %reduce_sum3A = arith.constant dense<0.000000e+00> : vector<1024xf32>
    %reduce_sum3A_2 = vector.multi_reduction <add>, %mul3A, %reduce_sum3A [1] : vector<1024x128xf32> to vector<1024xf32>
    %broadcast_in_dim3A = vector.shape_cast %reduce_sum3A_2 : vector<1024xf32> to vector<1024x1xf32>
    %sqrt3A = math.sqrt %broadcast_in_dim3A : vector<1024x1xf32>
    %max3A = arith.constant 9.99999996E-13 : f32
    %max3A_3 = vector.broadcast %max3A : f32 to vector<1024x1xf32>
    %max3A_4 = arith.maximumf %sqrt3A, %max3A_3 : vector<1024x1xf32>
    %div3A = vector.broadcast %max3A_4 : vector<1024x1xf32> to vector<1024x128xf32>
    %div3A_5 = arith.divf %get3A_1, %div3A : vector<1024x128xf32>
    %mul3A_6 = arith.constant 2.885390e+01 : f32
    %mul3A_7 = vector.broadcast %mul3A_6 : f32 to vector<1024x128xf32>
    %mul3A_8 = arith.mulf %div3A_5, %mul3A_7 : vector<1024x128xf32>
    %convert_element_type3A = arith.truncf %mul3A_8 : vector<1024x128xf32> to vector<1024x128xbf16>
    %broadcast_in_dim3A_9 = arith.constant 0.000000e+00 : f32
    %broadcast_in_dim3A_10 = vector.broadcast %broadcast_in_dim3A_9 : f32 to vector<1024x1xf32>
    %get3A_11 = arith.constant 0 : index
    %get3A_12 = arith.constant 0 : index
    %get3A_13 = vector.load %arg2[%get3A_11, %get3A_12] : memref<16384x128xf32, #tpu.memory_space<vmem>>, vector<2048x128xf32>
    %convert_element_type3A_14 = arith.truncf %get3A_13 : vector<2048x128xf32> to vector<2048x128xbf16>
    %dot_general3A = arith.constant dense<0.000000e+00> : vector<1024x2048xf32>
    %dot_general3A_15 = tpu.matmul %convert_element_type3A, %convert_element_type3A_14, %dot_general3A {dimension_numbers = #tpu.dot_dimension_numbers<[1], [1], [0], [0], [0, 0, 1, 0], [], []>, transpose_lhs_hint = false} : vector<1024x128xbf16>, vector<2048x128xbf16>, vector<1024x2048xf32> -> vector<1024x2048xf32>
    %exp23A = math.exp2 %dot_general3A_15 : vector<1024x2048xf32>
    %reduce_sum3A_16 = arith.constant dense<0.000000e+00> : vector<1024xf32>
    %reduce_sum3A_17 = vector.multi_reduction <add>, %exp23A, %reduce_sum3A_16 [1] : vector<1024x2048xf32> to vector<1024xf32>
    %broadcast_in_dim3A_18 = vector.shape_cast %reduce_sum3A_17 : vector<1024xf32> to vector<1024x1xf32>
    %add3A = arith.addf %broadcast_in_dim3A_10, %broadcast_in_dim3A_18 : vector<1024x1xf32>
    %get3A_19 = arith.constant 2048 : index
    %get3A_20 = arith.constant 0 : index
    %get3A_21 = vector.load %arg2[%get3A_19, %get3A_20] : memref<16384x128xf32, #tpu.memory_space<vmem>>, vector<2048x128xf32>
    %convert_element_type3A_22 = arith.truncf %get3A_21 : vector<2048x128xf32> to vector<2048x128xbf16>
    %dot_general3A_23 = arith.constant dense<0.000000e+00> : vector<1024x2048xf32>
    %dot_general3A_24 = tpu.matmul %convert_element_type3A, %convert_element_type3A_22, %dot_general3A_23 {dimension_numbers = #tpu.dot_dimension_numbers<[1], [1], [0], [0], [0, 0, 1, 0], [], []>, transpose_lhs_hint = false} : vector<1024x128xbf16>, vector<2048x128xbf16>, vector<1024x2048xf32> -> vector<1024x2048xf32>
    %exp23A_25 = math.exp2 %dot_general3A_24 : vector<1024x2048xf32>
    %reduce_sum3A_26 = arith.constant dense<0.000000e+00> : vector<1024xf32>
    %reduce_sum3A_27 = vector.multi_reduction <add>, %exp23A_25, %reduce_sum3A_26 [1] : vector<1024x2048xf32> to vector<1024xf32>
    %broadcast_in_dim3A_28 = vector.shape_cast %reduce_sum3A_27 : vector<1024xf32> to vector<1024x1xf32>
    %add3A_29 = arith.addf %add3A, %broadcast_in_dim3A_28 : vector<1024x1xf32>
    %get3A_30 = arith.constant 4096 : index
    %get3A_31 = arith.constant 0 : index
    %get3A_32 = vector.load %arg2[%get3A_30, %get3A_31] : memref<16384x128xf32, #tpu.memory_space<vmem>>, vector<2048x128xf32>
    %convert_element_type3A_33 = arith.truncf %get3A_32 : vector<2048x128xf32> to vector<2048x128xbf16>
    %dot_general3A_34 = arith.constant dense<0.000000e+00> : vector<1024x2048xf32>
    %dot_general3A_35 = tpu.matmul %convert_element_type3A, %convert_element_type3A_33, %dot_general3A_34 {dimension_numbers = #tpu.dot_dimension_numbers<[1], [1], [0], [0], [0, 0, 1, 0], [], []>, transpose_lhs_hint = false} : vector<1024x128xbf16>, vector<2048x128xbf16>, vector<1024x2048xf32> -> vector<1024x2048xf32>
    %exp23A_36 = math.exp2 %dot_general3A_35 : vector<1024x2048xf32>
    %reduce_sum3A_37 = arith.constant dense<0.000000e+00> : vector<1024xf32>
    %reduce_sum3A_38 = vector.multi_reduction <add>, %exp23A_36, %reduce_sum3A_37 [1] : vector<1024x2048xf32> to vector<1024xf32>
    %broadcast_in_dim3A_39 = vector.shape_cast %reduce_sum3A_38 : vector<1024xf32> to vector<1024x1xf32>
    %add3A_40 = arith.addf %add3A_29, %broadcast_in_dim3A_39 : vector<1024x1xf32>
    %get3A_41 = arith.constant 6144 : index
    %get3A_42 = arith.constant 0 : index
    %get3A_43 = vector.load %arg2[%get3A_41, %get3A_42] : memref<16384x128xf32, #tpu.memory_space<vmem>>, vector<2048x128xf32>
    %convert_element_type3A_44 = arith.truncf %get3A_43 : vector<2048x128xf32> to vector<2048x128xbf16>
    %dot_general3A_45 = arith.constant dense<0.000000e+00> : vector<1024x2048xf32>
    %dot_general3A_46 = tpu.matmul %convert_element_type3A, %convert_element_type3A_44, %dot_general3A_45 {dimension_numbers = #tpu.dot_dimension_numbers<[1], [1], [0], [0], [0, 0, 1, 0], [], []>, transpose_lhs_hint = false} : vector<1024x128xbf16>, vector<2048x128xbf16>, vector<1024x2048xf32> -> vector<1024x2048xf32>
    %exp23A_47 = math.exp2 %dot_general3A_46 : vector<1024x2048xf32>
    %reduce_sum3A_48 = arith.constant dense<0.000000e+00> : vector<1024xf32>
    %reduce_sum3A_49 = vector.multi_reduction <add>, %exp23A_47, %reduce_sum3A_48 [1] : vector<1024x2048xf32> to vector<1024xf32>
    %broadcast_in_dim3A_50 = vector.shape_cast %reduce_sum3A_49 : vector<1024xf32> to vector<1024x1xf32>
    %add3A_51 = arith.addf %add3A_40, %broadcast_in_dim3A_50 : vector<1024x1xf32>
    %get3A_52 = arith.constant 8192 : index
    %get3A_53 = arith.constant 0 : index
    %get3A_54 = vector.load %arg2[%get3A_52, %get3A_53] : memref<16384x128xf32, #tpu.memory_space<vmem>>, vector<2048x128xf32>
    %convert_element_type3A_55 = arith.truncf %get3A_54 : vector<2048x128xf32> to vector<2048x128xbf16>
    %dot_general3A_56 = arith.constant dense<0.000000e+00> : vector<1024x2048xf32>
    %dot_general3A_57 = tpu.matmul %convert_element_type3A, %convert_element_type3A_55, %dot_general3A_56 {dimension_numbers = #tpu.dot_dimension_numbers<[1], [1], [0], [0], [0, 0, 1, 0], [], []>, transpose_lhs_hint = false} : vector<1024x128xbf16>, vector<2048x128xbf16>, vector<1024x2048xf32> -> vector<1024x2048xf32>
    %exp23A_58 = math.exp2 %dot_general3A_57 : vector<1024x2048xf32>
    %reduce_sum3A_59 = arith.constant dense<0.000000e+00> : vector<1024xf32>
    %reduce_sum3A_60 = vector.multi_reduction <add>, %exp23A_58, %reduce_sum3A_59 [1] : vector<1024x2048xf32> to vector<1024xf32>
    %broadcast_in_dim3A_61 = vector.shape_cast %reduce_sum3A_60 : vector<1024xf32> to vector<1024x1xf32>
    %add3A_62 = arith.addf %add3A_51, %broadcast_in_dim3A_61 : vector<1024x1xf32>
    %get3A_63 = arith.constant 10240 : index
    %get3A_64 = arith.constant 0 : index
    %get3A_65 = vector.load %arg2[%get3A_63, %get3A_64] : memref<16384x128xf32, #tpu.memory_space<vmem>>, vector<2048x128xf32>
    %convert_element_type3A_66 = arith.truncf %get3A_65 : vector<2048x128xf32> to vector<2048x128xbf16>
    %dot_general3A_67 = arith.constant dense<0.000000e+00> : vector<1024x2048xf32>
    %dot_general3A_68 = tpu.matmul %convert_element_type3A, %convert_element_type3A_66, %dot_general3A_67 {dimension_numbers = #tpu.dot_dimension_numbers<[1], [1], [0], [0], [0, 0, 1, 0], [], []>, transpose_lhs_hint = false} : vector<1024x128xbf16>, vector<2048x128xbf16>, vector<1024x2048xf32> -> vector<1024x2048xf32>
    %exp23A_69 = math.exp2 %dot_general3A_68 : vector<1024x2048xf32>
    %reduce_sum3A_70 = arith.constant dense<0.000000e+00> : vector<1024xf32>
    %reduce_sum3A_71 = vector.multi_reduction <add>, %exp23A_69, %reduce_sum3A_70 [1] : vector<1024x2048xf32> to vector<1024xf32>
    %broadcast_in_dim3A_72 = vector.shape_cast %reduce_sum3A_71 : vector<1024xf32> to vector<1024x1xf32>
    %add3A_73 = arith.addf %add3A_62, %broadcast_in_dim3A_72 : vector<1024x1xf32>
    %get3A_74 = arith.constant 12288 : index
    %get3A_75 = arith.constant 0 : index
    %get3A_76 = vector.load %arg2[%get3A_74, %get3A_75] : memref<16384x128xf32, #tpu.memory_space<vmem>>, vector<2048x128xf32>
    %convert_element_type3A_77 = arith.truncf %get3A_76 : vector<2048x128xf32> to vector<2048x128xbf16>
    %dot_general3A_78 = arith.constant dense<0.000000e+00> : vector<1024x2048xf32>
    %dot_general3A_79 = tpu.matmul %convert_element_type3A, %convert_element_type3A_77, %dot_general3A_78 {dimension_numbers = #tpu.dot_dimension_numbers<[1], [1], [0], [0], [0, 0, 1, 0], [], []>, transpose_lhs_hint = false} : vector<1024x128xbf16>, vector<2048x128xbf16>, vector<1024x2048xf32> -> vector<1024x2048xf32>
    %exp23A_80 = math.exp2 %dot_general3A_79 : vector<1024x2048xf32>
    %reduce_sum3A_81 = arith.constant dense<0.000000e+00> : vector<1024xf32>
    %reduce_sum3A_82 = vector.multi_reduction <add>, %exp23A_80, %reduce_sum3A_81 [1] : vector<1024x2048xf32> to vector<1024xf32>
    %broadcast_in_dim3A_83 = vector.shape_cast %reduce_sum3A_82 : vector<1024xf32> to vector<1024x1xf32>
    %add3A_84 = arith.addf %add3A_73, %broadcast_in_dim3A_83 : vector<1024x1xf32>
    %get3A_85 = arith.constant 14336 : index
    %get3A_86 = arith.constant 0 : index
    %get3A_87 = vector.load %arg2[%get3A_85, %get3A_86] : memref<16384x128xf32, #tpu.memory_space<vmem>>, vector<2048x128xf32>
    %convert_element_type3A_88 = arith.truncf %get3A_87 : vector<2048x128xf32> to vector<2048x128xbf16>
    %dot_general3A_89 = arith.constant dense<0.000000e+00> : vector<1024x2048xf32>
    %dot_general3A_90 = tpu.matmul %convert_element_type3A, %convert_element_type3A_88, %dot_general3A_89 {dimension_numbers = #tpu.dot_dimension_numbers<[1], [1], [0], [0], [0, 0, 1, 0], [], []>, transpose_lhs_hint = false} : vector<1024x128xbf16>, vector<2048x128xbf16>, vector<1024x2048xf32> -> vector<1024x2048xf32>
    %exp23A_91 = math.exp2 %dot_general3A_90 : vector<1024x2048xf32>
    %reduce_sum3A_92 = arith.constant dense<0.000000e+00> : vector<1024xf32>
    %reduce_sum3A_93 = vector.multi_reduction <add>, %exp23A_91, %reduce_sum3A_92 [1] : vector<1024x2048xf32> to vector<1024xf32>
    %broadcast_in_dim3A_94 = vector.shape_cast %reduce_sum3A_93 : vector<1024xf32> to vector<1024x1xf32>
    %add3A_95 = arith.addf %add3A_84, %broadcast_in_dim3A_94 : vector<1024x1xf32>
    %log3A = math.log %add3A_95 : vector<1024x1xf32>
    %reduce_sum3A_96 = vector.shape_cast %log3A : vector<1024x1xf32> to vector<1x1024x1xf32>
    %reduce_sum3A_97 = arith.constant dense<0.000000e+00> : vector<1xf32>
    %reduce_sum3A_98 = vector.multi_reduction <add>, %reduce_sum3A_96, %reduce_sum3A_97 [1, 2] : vector<1x1024x1xf32> to vector<1xf32>
    %reduce_sum3A_99 = vector.shape_cast %reduce_sum3A_98 : vector<1xf32> to vector<1x1x1xf32>
    %reduce_sum3A_100 = vector.extract %reduce_sum3A_99[0, 0, 0] : f32 from vector<1x1x1xf32>
    %reshape3A = vector.broadcast %reduce_sum3A_100 : f32 to vector<1x1xf32>
    %eq3A = arith.constant 0 : i32
    %eq3A_101 = arith.cmpi eq, %arg0, %eq3A : i32
    %convert_element_type3A_102 = arith.extui %eq3A_101 : i1 to i32
    %cond3A = arith.constant 0 : i32
    %cond3A_103 = arith.cmpi ne, %convert_element_type3A_102, %cond3A : i32
    scf.if %cond3A_103 {
      %swap3A = arith.constant 0 : index
      %swap3A_108 = arith.constant 0 : index
      %swap3A_109 = vector.load %arg3[%swap3A, %swap3A_108] : memref<1x1xf32, #tpu.memory_space<vmem>>, vector<1x1xf32>
      tpu.vector_store %arg3[%swap3A, %swap3A_108], %reshape3A {strides = array<i32>} : memref<1x1xf32, #tpu.memory_space<vmem>>, vector<1x1xf32>,
    } else {
    }
    %gt3A = arith.constant 0 : i32
    %gt3A_104 = arith.cmpi sgt, %arg0, %gt3A : i32
    %convert_element_type3A_105 = arith.extui %gt3A_104 : i1 to i32
    %cond3A_106 = arith.constant 0 : i32
    %cond3A_107 = arith.cmpi ne, %convert_element_type3A_105, %cond3A_106 : i32
    scf.if %cond3A_107 {
      %get3A_108 = arith.constant 0 : index
      %get3A_109 = arith.constant 0 : index
      %get3A_110 = vector.load %arg3[%get3A_108, %get3A_109] : memref<1x1xf32, #tpu.memory_space<vmem>>, vector<1x1xf32>
      %add3A_111 = arith.addf %get3A_110, %reshape3A : vector<1x1xf32>
      %swap3A = arith.constant 0 : index
      %swap3A_112 = arith.constant 0 : index
      %swap3A_113 = vector.load %arg3[%swap3A, %swap3A_112] : memref<1x1xf32, #tpu.memory_space<vmem>>, vector<1x1xf32>
      tpu.vector_store %arg3[%swap3A, %swap3A_112], %add3A_111 {strides = array<i32>} : memref<1x1xf32, #tpu.memory_space<vmem>>, vector<1x1xf32>,
    } else {
    }
    return
  }
  func.func @transform_0(%arg0: i32) -> (i32, i32) {
    %c0_i32 = arith.constant 0 : i32
    %c0_i32_0 = arith.constant 0 : i32
    return %arg0, %c0_i32 : i32, i32
  }
  func.func @transform_1(%arg0: i32) -> (i32, i32) {
    %c0_i32 = arith.constant 0 : i32
    %c0_i32_0 = arith.constant 0 : i32
    %c0_i32_1 = arith.constant 0 : i32
    return %c0_i32, %c0_i32_0 : i32, i32
  }
  func.func @transform_2(%arg0: i32) -> (i32, i32) {
    %c0_i32 = arith.constant 0 : i32
    %c0_i32_0 = arith.constant 0 : i32
    %c0_i32_1 = arith.constant 0 : i32
    return %c0_i32, %c0_i32_0 : i32, i32
  }
}

</mosaic_0001>

<sc_bundles>
// kernel: kernel.4.cloned.1.call-start
scs
__scs_entry_jumppad:
0x0: {  	(pc) =	sbr.rel $0x88, $3  }
0x1: {  	(tag) =	ssettag $0x0;
	lr =	simm.s32 $0x1  }
0x2: {  	[smem:$0x3F9E] =	sst lr;
	_ =	strace $0xD0000000  }
0x3: {  	_ = 	snop  }
0x4: {  	_ = 	snop  }
0x5: {  	_ = 	snop  }
0x6: {  	_ = 	snop  }
0x7: {  	_ = 	snop  }
__scs_overlays_trampoline_lowered:
0x8: {  	[smem:$0x3FAD] =	sst s0  }
0x9: {  	[smem:$0x3FAE] =	sst s1  }
0xa: {  	[smem:$0x3FAF] =	sst s2  }
0xb: {  	[smem:$0x3FB0] =	sst s3  }
0xc: {  	[smem:$0x3FB1] =	sst s4  }
0xd: {  	[smem:$0x3FB2] =	sst s5  }
0xe: {  	[smem:$0x3FB3] =	sst s6  }
0xf: {  	[smem:$0x3FB4] =	sst s7  }
0x10: {  	[smem:$0x3FB5] =	sst s8  }
0x11: {  	[smem:$0x3FB6] =	sst s9;
	s0 =	simm.s32 @!p0 $0x0  }
0x12: {  	s1 =	sld [smem:$0x3F9C];
	s0 =	simm.s32 @p0 $0x1  }
0x13: {  	[smem:$0x3FB7] =	sst s0;
	s0 =	simm.s32 @!p1 $0x0  }
0x14: {  	s2 =	sld [smem:$0x3F9B];
	s0 =	simm.s32 @p1 $0x1  }
0x15: {  	[smem:$0x3FB8] =	sst s0;
	s0 =	simm.s32 @!p2 $0x0  }
0x16: {  	s3 =	sld [smem:$0x3FDB];
	s0 =	simm.s32 @p2 $0x1  }
0x17: {  	s4 =	simm.s32 $0x1BF5;
	[smem:$0x3FBA] =	sst s0  }
0x18: {  	s0 =	sld [smem:$0x3F9D];
	_ =	swait.ge [sflag:s4], $0x0  }
0x19: {  	s7 =	sld [smem:$0x3F9E]  }
0x1a: {  	s8 =	sadd.s32 $0xFFFFE003, lr  }
0x1b: {  	s9 =	sadd.s32 $0xFFFFFEF7, lr;
	s5 =	simm.s32 $0xFFFFFFFF;
	p2 =	slt.u32 s8, $0xFFFFF086  }
0x1c: {  	p1 =	slt.u32 s9, $0xF7A;
	s5 =	simm.s32 @!p2 $0x0  }
0x1d: {  	s5 =	simm.s32 @p1 $0x1;
	p0 =	seq.s32 s7, s2  }
0x1e: {  	s7 =	smul.u32 @!p0 $0xF7A, s2;
	p2 =	seq.s32 @!p0 s5, $0x0  }
0x1f: {  	s9 =	smul.u32 $0xF7A, s1;
	s8 =	simm.s32 @!p0 $0x1BF5;
	p2 =	por !p2, p0  }
0x20: {  	[sflag:s8] =	ssyncset.s32 @!p0 $0xFFFFF086;
	s6 =	sadd.s32 @!p0 s3, s7;
	s7 =	simm.s32 @!p0 $0x108  }
0x21: {  	s3 =	sadd.s32 s3, s9;
	s6 =	sadd.s32 @!p0 $0x88, s6;
	s7 =	simm.s32 @p2 $0x1082  }
0x22: {  	[simem:s7], [sflag:s8] =	dma.local @!p0 [hbm:s6], $0xF7A  }
0x23: {  	s9 =	sor.u32 $0xD0000000, s2;
	s6 =	simm.s32 $0x108;
	_ =	swait.ge @!p0 [sflag:s8], $0x0  }
0x24: {  	s3 =	sadd.s32 $0x88, s3;
	s6 =	simm.s32 @!p1 $0x1082;
	[sflag:s4] =	ssyncset.s32 $0xFFFFF086  }
0x25: {  	[simem:s6], [sflag:s4] =	dma.local [hbm:s3], $0xF7A  }
0x26: {  	[smem:$0x3F9E] =	sst s1;
	(tag) =	ssettag s2;
	_ =	strace s9  }
0x27: {  	s1 =	sld [smem:$0x3FAE]  }
0x28: {  	s2 =	sld [smem:$0x3FAF]  }
0x29: {  	s4 =	sld [smem:$0x3FB1]  }
0x2a: {  	p0 =	seq.s32 s5, $0x0;
	s5 =	sld [smem:$0x3FB2]  }
0x2b: {  	s6 =	sld [smem:$0x3FB3]  }
0x2c: {  	s7 =	sld [smem:$0x3FB4]  }
0x2d: {  	s3 =	simm.s32 $0x108;
	s8 =	sld [smem:$0x3FB5]  }
0x2e: {  	s3 =	simm.s32 @!p0 $0x1082;
	s9 =	sld [smem:$0x3FB6]  }
0x2f: {  	lr =	sadd.s32 s0, s3;
	s0 =	sld [smem:$0x3FAD]  }
0x30: {  	s3 =	sld [smem:$0x3FB0]  }
0x31: {  	[smem:$0x3FB9] =	sst s10  }
0x32: {  	s10 =	sld [smem:$0x3FB7];
	_ =	sdelay $0x3  }
0x33: {  	p0 =	seq.s32 s10, $0x1;
	s10 =	sld [smem:$0x3FB9];
	_ =	sdelay $0x3  }
0x34: {  	[smem:$0x3FB9] =	sst s10  }
0x35: {  	s10 =	sld [smem:$0x3FB8];
	_ =	sdelay $0x3  }
0x36: {  	p1 =	seq.s32 s10, $0x1;
	s10 =	sld [smem:$0x3FB9];
	_ =	sdelay $0x3  }
0x37: {  	[smem:$0x3FB9] =	sst s10  }
0x38: {  	s10 =	sld [smem:$0x3FBA]  }
0x39: {  	_ = 	snop;
	(pc) =	sbr.ind lr, $3  }
0x3a: {  	_ = 	snop  }
0x3b: {  	_ = 	snop  }
0x3c: {  	p2 =	seq.s32 s10, $0x1;
	s10 =	sld [smem:$0x3FB9]  }
0x3d: {  	_ =	shalt  }
0x3e: {  	_ =	shalt  }
0x3f: {  	_ =	shalt  }
0x40: {  	_ =	shalt  }
0x41: {  	_ =	shalt  }
0x42: {  	_ =	shalt  }
0x43: {  	_ =	shalt  }
0x44: {  	_ =	shalt  }
0x45: {  	_ =	shalt  }
0x46: {  	_ =	shalt  }
0x47: {  	_ =	shalt  }
0x48: {  	_ =	shalt  }
0x49: {  	_ =	shalt  }
0x4a: {  	_ =	shalt  }
0x4b: {  	_ =	shalt  }
0x4c: {  	_ =	shalt  }
0x4d: {  	_ =	shalt  }
0x4e: {  	_ =	shalt  }
0x4f: {  	_ =	shalt  }
0x50: {  	_ =	shalt  }
0x51: {  	_ =	shalt  }
0x52: {  	_ =	shalt  }
0x53: {  	_ =	shalt  }
0x54: {  	_ =	shalt  }
0x55: {  	_ =	shalt  }
0x56: {  	_ =	shalt  }
0x57: {  	_ =	shalt  }
0x58: {  	_ =	shalt  }
0x59: {  	_ =	shalt  }
0x5a: {  	_ =	shalt  }
0x5b: {  	_ =	shalt  }
0x5c: {  	_ =	shalt  }
0x5d: {  	_ =	shalt  }
0x5e: {  	_ =	shalt  }
0x5f: {  	_ =	shalt  }
0x60: {  	_ =	shalt  }
0x61: {  	_ =	shalt  }
0x62: {  	_ =	shalt  }
0x63: {  	_ =	shalt  }
0x64: {  	_ =	shalt  }
0x65: {  	_ =	shalt  }
0x66: {  	_ =	shalt  }
0x67: {  	_ =	shalt  }
0x68: {  	_ =	shalt  }
0x69: {  	_ =	shalt  }
0x6a: {  	_ =	shalt  }
0x6b: {  	_ =	shalt  }
0x6c: {  	_ =	shalt  }
0x6d: {  	_ =	shalt  }
0x6e: {  	_ =	shalt  }
0x6f: {  	_ =	shalt  }
0x70: {  	_ =	shalt  }
0x71: {  	_ =	shalt  }
0x72: {  	_ =	shalt  }
0x73: {  	_ =	shalt  }
0x74: {  	_ =	shalt  }
0x75: {  	_ =	shalt  }
0x76: {  	_ =	shalt  }
0x77: {  	_ =	shalt  }
0x78: {  	_ =	shalt  }
0x79: {  	_ =	shalt  }
0x7a: {  	_ =	shalt  }
0x7b: {  	_ =	shalt  }
0x7c: {  	_ =	shalt  }
0x7d: {  	_ =	shalt  }
0x7e: {  	_ =	shalt  }
0x7f: {  	_ =	shalt  }
0x80: {  	_ =	shalt  }
0x81: {  	_ =	shalt  }
0x82: {  	_ =	shalt  }
0x83: {  	_ =	shalt  }
0x84: {  	_ =	shalt  }
0x85: {  	_ =	shalt  }
0x86: {  	_ =	shalt  }
0x87: {  	_ =	shalt  }
.Lfunc_end0:
.L_simem_size_0:
called_computation_lowered:
.L_overlay_start_0:
0x88: {  	s2 =	sld [smem:$0x3FD9]  }
0x89: {  	s3 =	sld [smem:$0x3FFE];
	_ =	sdelay $0x1  }
0x8a: {  	s1 =	srdreg.scid  }
0x8b: {  	s0 =	sand.u32 $0x1, s1  }
0x8c: {  	s17 =	sshll.u32 s0, $0xA;
	s2 =	sadd.s32 s3, s2  }
0x8d: {  	s2 =	sadd.s32 s2, s17  }
0x8e: {  	[smem:$0x3FC5] =	sst s2  }
0x8f: {  	_ = 	snop  }
0x90: {  	s2 =	sld [smem:$0x3FC9]  }
0x91: {  	s18 =	sld [smem:$0x3FC8]  }
0x92: {  	s4 =	sld [smem:$0x3FC7];
	(tm) =	ssettm $0x1  }
0x93: {  	s5 =	sld [smem:$0x3FFB];
	_ =	sdelay $0x3  }
0x94: {  	_ =	strace s5  }
0x95: {  	s5 =	sld [smem:$0x3FFC];
	_ =	sdelay $0x3  }
0x96: {  	_ =	strace s5  }
0x97: {  	s5 =	sld [smem:$0x3FFD];
	_ =	sdelay $0x3  }
0x98: {  	_ =	strace s5  }
0x99: {  	_ =	strace $0x8FFFFFFF  }
0x9a: {  	s19 =	sld [smem:$0x3FDB];
	_ =	sdelay $0x1  }
0x9b: {  	s6 =	simm.s32 $_scs_section_size  }
0x9c: {  	s7 =	simm.s32 $_size__tile_overlayer_lowered;
	s8 =	simm.s32 $_tile_overlayer_lowered  }
0x9d: {  	s22 =	simm.s32 $0x1BFF;
	s21 =	sshll.u32 s8, $0x1;
	s5 =	sadd.s32 s6, s19  }
0x9e: {  	s9 =	simm.s32 $0x0;
	s20 =	sshll.u32 s7, $0x1;
	s7 =	sadd.s32 s21, s5  }
0x9f: {  	[timem:s9], [sflag:s22] =	dma.local [hbm:s7], s20  }
0xa0: {  	_ =	swait.ge [sflag:s22], s20  }
0xa1: {  	s6 =	ssub.s32 $0x0, s20;
	[sflag:s22] =	ssyncset.done $0x0  }
0xa2: {  	[sflag:s22] =	ssyncadd.s32 s6;
	_ =	sdelay $0x1  }
0xa3: {  	s23 =	simm.s32 $0x1B8B  }
0xa4: {  	_ =	swait.ge [sflag:s23], $0x1  }
0xa5: {  	[sflag:s23] =	ssyncset.done $0x0  }
0xa6: {  	s25 =	simm.s32 $0x1B8E;
	s24 =	sld [smem:$0x3FFE];
	[sflag:s23] =	ssyncadd.s32 $0xFFFFFFFF  }
0xa7: {  	s26 =	simm.s32 $execute0_lowered;
	[smem:$0x3FD2] =	sst s25  }
0xa8: {  	s7 =	sshll.u32 s26, $0x1;
	_ =	strace $0x80000046;
	[dreg:$0x1] =	wrdreg $0xFFFFFFFF  }
0xa9: {  	s28 =	simm.s32 $_size_execute0_lowered;
	s5 =	sadd.s32 s5, s7;
	[dreg:$0x0] =	wrdreg $0x0  }
0xaa: {  	s7 =	sshll.u32 s28, $0x1;
	[dreg:$0x2] =	wrdreg s5  }
0xab: {  	[dreg:$0x3] =	wrdreg s7  }
0xac: {  	[dreg:$0x4] =	wrdreg $0xC0  }
0xad: {  	_ =	task [dreg:s9], $0x5FFFF  }
0xae: {  	[dreg:$0x1] =	wrdreg $0xFFFFFFFF  }
0xaf: {  	[dreg:$0x0] =	wrdreg $0x60  }
0xb0: {  	[dreg:$0x2] =	wrdreg s2  }
0xb1: {  	[dreg:$0x3] =	wrdreg s18  }
0xb2: {  	[dreg:$0x4] =	wrdreg s4  }
0xb3: {  	[dreg:$0x5] =	wrdreg s24  }
0xb4: {  	[dreg:$0x6] =	wrdreg $0x9  }
0xb5: {  	_ =	task.clear_ibuf [dreg:s9], $0x7FFFF;
	_ =	strace $0x90000046  }
0xb6: {  	s29 =	simm.s32 $0x9;
	_ =	strace $0x80000048  }
0xb7: {  	_ =	swait.ge [sflag:s29], $0x1  }
0xb8: {  	[sflag:s29] =	ssyncadd.s32 $0xFFFFFFFF  }
0xb9: {  	_ =	strace $0x90000048  }
0xba: {  	_ =	sfence  }
0xbb: {  	s30 =	sld [smem:$0x0];
	_ =	sdelay $0x2  }
0xbc: {  	s31 =	sshll.u32 s1, $0xD;
	s1 =	sshrl.u32 s1, $0x2  }
0xbd: {  	s3 =	sand.u32 $0x4000, s31;
	s1 =	sadd.s32 s1, s30  }
0xbe: {  	s0 =	sor.u32 s3, s0;
	s1 =	sshll.u32 s1, $0x11  }
0xbf: {  	s0 =	sor.u32 s1, s0  }
0xc0: {  	s0 =	sadd.s32 $0x8F2B, s0  }
0xc1: {  	[sflag:s0] =	ssyncadd.remote.s32 $0x1  }
0xc2: {  	_ =	sfence.sel $0xFFFF  }
0xc3: {  	[dreg:$0x0] =	wrdreg $0xFFFFFFFF;
	(pc) =	sbr.abs _section_cstart, $3  }
0xc4: {  	[dreg:$0x1] =	wrdreg $0xFFFFFFFF  }
0xc5: {  	_ =	task.clear_ibuf [dreg:s9], $0x2FFFF;
	_ =	strace $0x9FFFFFFF  }
0xc6: {  	(tm) =	ssettm $0x7FFFFFFF  }
0xc7: {  	_ =	shalt  }
tec
execute0_lowered:
.L_overlay_start_1:
0x0: {  	(tag) =	ssettag $0x1  }
0x1: {  	s0 =	rddreg [dreg:$0x0]  }
0x2: {  	s1 =	rddreg [dreg:$0x1];
	s2 =	srdreg.scid  }
0x3: {  	s4 =	stileid.u32;
	s3 =	rddreg [dreg:$0x3]  }
0x4: {  	s7 =	simm.s32 $0x0;
	s2 =	sand.u32 $0x1, s2;
	s4 =	sshll.u32 s4, $0x1  }
0x5: {  	[smem:$0x7FF] =	sst s7;
	s4 =	sor.u32 s2, s4  }
0x6: {  	s2 =	ssub.s32 $0x2, s2;
	_ =	strace $0x80000047;
	s5 =	sshll.u32 s4, $0x4  }
0x7: {  	s6 =	sshrl.u32 s2, $0x1;
	s29 =	sshll.u32 s4, $0xB;
	s1 =	sadd.s32 s1, s5  }
0x8: {  	s3 =	sadd.s32 s5, s3;
	s0 =	sadd.s32 s0, s29;
	[dreg:$0xa] =	wrdreg s1  }
0x9: {  	s2 =	ssub.s32 s2, s6;
	[dreg:$0xb] =	wrdreg s0;
	s30 =	sadd.s32 $0x400, s3  }
0xa: {  	s31 =	smax.u32 s2, $0x1;
	[dreg:$0xc] =	wrdreg s30  }
0xb: {  	s1 =	simm.s32 $0x2;
	s2 =	simm.s32 $0x0;
	[dreg:$0xd] =	wrdreg s31  }
.LBB2_1:
0xc: {  	[dreg:$0xe] =	wrdreg s2  }
0xd: {  	s0 =	rddreg [dreg:$0xa]  }
0xe: {  	[tilespmem:s7], [sflag:$0x2] =	stream.linear.gather [hbm4b:s0+s7], $0x80, $0x38;
	[tilespmem:$0x8100] =	vst v63  }
0xf: {  	_ =	swait.ge [sflag:s1], $0x80  }
0x10: {  	[sflag:s1] =	ssyncset.done $0x0  }
0x11: {  	[sflag:s1] =	ssyncadd.s32 $0xFFFFFF80  }
0x12: {  	s18 =	simm.s32 $0x80;
	s3 =	simm.s32 $0x4080;
	s17 =	rddreg [dreg:$0x2]  }
0x13: {  	[tilespmem:s3], [sflag:$0x1] =	stream.indirect.gather [hbm4b:s17+s18], $0x80, s7, s18, $0xb8;
	[tilespmem:$0x8100] =	vst v63  }
0x14: {  	s19 =	rddreg [dreg:$0xb]  }
0x15: {  	[tilespmem:s18], [sflag:$0x2] =	stream.linear.gather [hbm4b:s19+s7], $0x4000, $0x38;
	[tilespmem:$0x8100] =	vst v63  }
0x16: {  	_ =	swait.ge [sflag:s1], $0x4000  }
0x17: {  	[sflag:s1] =	ssyncset.done $0x0  }
0x18: {  	s20 =	simm.s32 $0x1;
	[sflag:s1] =	ssyncadd.s32 $0xFFFFC000  }
0x19: {  	_ =	swait.ge [sflag:s20], $0x4000  }
0x1a: {  	[sflag:s20] =	ssyncset.done $0x0  }
0x1b: {  	s21 =	simm.s32 $0x0;
	[sflag:s20] =	ssyncadd.s32 $0xFFFFC000  }
0x1c: {  	v0 =	vld [tilespmem:s21+$0x80]  }
0x1d: {  	v1 =	vld [tilespmem:s21+$0x90];
	_ =	sdelay $0x1  }
0x1e: {  	v2 =	vld [tilespmem:s21+$0xA0];
	_ =	sdelay $0x1  }
0x1f: {  	v3 =	vld [tilespmem:s21+$0xB0]  }
0x20: {  	v4 =	vmul.f32 v0, v0;
	v5 =	vmul.f32 v1, v1  }
0x21: {  	v6 =	vld [tilespmem:s21+$0xC0]  }
0x22: {  	v7 =	vmul.f32 v2, v2;
	v4 =	vadd.f32 v5, v4  }
0x23: {  	v5 =	vld [tilespmem:s21+$0xD0]  }
0x24: {  	v8 =	vmul.f32 v3, v3;
	v4 =	vadd.f32 v7, v4  }
0x25: {  	v7 =	vld [tilespmem:s21+$0xE0]  }
0x26: {  	v9 =	vmul.f32 v6, v6;
	v4 =	vadd.f32 v8, v4  }
0x27: {  	v8 =	vld [tilespmem:s21+$0xF0]  }
0x28: {  	v10 =	vmul.f32 v5, v5;
	v4 =	vadd.f32 v9, v4  }
0x29: {  	v9 =	vld [tilespmem:s21+$0x4080]  }
0x2a: {  	v11 =	vmul.f32 v7, v7;
	v4 =	vadd.f32 v10, v4  }
0x2b: {  	v10 =	vld [tilespmem:s21+$0x4090]  }
0x2c: {  	v12 =	vmul.f32 v8, v8;
	v4 =	vadd.f32 v11, v4  }
0x2d: {  	v11 =	vld [tilespmem:s21+$0x40A0]  }
0x2e: {  	v0 =	vmul.f32 v9, v0;
	v4 =	vadd.f32 v12, v4  }
0x2f: {  	s22 =	simm.s32 $0x80;
	v9 =	vld [tilespmem:s21+$0x40B0]  }
0x30: {  	v13 =	vld [tilespmem:s22+$0x90];
	v0 =	vadd.f32 $0.0e+00, v0;
	v1 =	vmul.f32 v10, v1;
	(v2sf) =	vpush v4, $0x4  }
0x31: {  	v12 =	vld [tilespmem:s21+$0x40C0];
	(v2sf) =	vpush v4, $0x2  }
0x32: {  	v10 =	vld [tilespmem:s22+$0x80];
	v0 =	vadd.f32 v1, v0;
	v1 =	vmul.f32 v11, v2;
	(v2sf) =	vpush v4, $0xF  }
0x33: {  	v2 =	vld [tilespmem:s21+$0x40D0];
	(v2sf) =	vpush v4, $0x0  }
0x34: {  	v3 =	vmul.f32 v9, v3;
	v9 =	vld [tilespmem:s22+$0xA0];
	v0 =	vadd.f32 v1, v0;
	(v2sf) =	vpush v4, $0x1  }
0x35: {  	v1 =	vld [tilespmem:s21+$0x40E0];
	(v2sf) =	vpush v4, $0x3  }
0x36: {  	v11 =	vld [tilespmem:s22+$0xB0];
	v6 =	vmul.f32 v12, v6;
	v0 =	vadd.f32 v3, v0;
	(v2sf) =	vpush v4, $0x5  }
0x37: {  	v14 =	vmul.f32 v13, v13;
	v12 =	vmul.f32 v10, v10;
	v3 =	vld [tilespmem:s21+$0x40F0];
	(v2sf) =	vpush v4, $0x6  }
0x38: {  	v2 =	vmul.f32 v2, v5;
	v0 =	vadd.f32 v6, v0;
	(v2sf) =	vpush v4, $0xC  }
0x39: {  	v5 =	vld [tilespmem:s22+$0xC0];
	v12 =	vadd.f32 v14, v12;
	v6 =	vmul.f32 v9, v9;
	(v2sf) =	vpush v4, $0x7  }
0x3a: {  	v1 =	vmul.f32 v1, v7;
	v0 =	vadd.f32 v2, v0;
	(v2sf) =	vpush v4, $0x8  }
0x3b: {  	v7 =	vmul.f32 v11, v11;
	v2 =	vld [tilespmem:s22+$0xD0];
	v6 =	vadd.f32 v6, v12;
	(v2sf) =	vpush v4, $0xB  }
0x3c: {  	v3 =	vmul.f32 v3, v8;
	v0 =	vadd.f32 v1, v0;
	(v2sf) =	vpush v4, $0x9  }
0x3d: {  	v8 =	vld [tilespmem:s22+$0xE0];
	v1 =	vadd.f32 v7, v6;
	(v2sf) =	vpush v4, $0xA  }
0x3e: {  	v6 =	vmul.f32 v5, v5;
	v7 =	vadd.f32 v3, v0;
	(v2sf) =	vpush v4, $0xD  }
0x3f: {  	v12 =	vld [tilespmem:s22+$0xF0];
	s23 =	spop (v2sf);
	(v2sf) =	vpush v4, $0xE  }
0x40: {  	v1 =	vadd.f32 v6, v1;
	v0 =	vmul.f32 v2, v2;
	s24 =	spop (v2sf);
	(v2sf) =	vpush v7, $0x8  }
0x41: {  	s0 =	spop (v2sf);
	(v2sf) =	vpush v7, $0x6  }
0x42: {  	v3 =	vmul.f32 v8, v8;
	v0 =	vadd.f32 v0, v1;
	s4 =	spop (v2sf);
	(v2sf) =	vpush v7, $0xF  }
0x43: {  	s5 =	spop (v2sf);
	(v2sf) =	vpush v7, $0xE  }
0x44: {  	v1 =	vmul.f32 v12, v12;
	v0 =	vadd.f32 v3, v0;
	s6 =	spop (v2sf);
	(v2sf) =	vpush v7, $0xD  }
0x45: {  	s4 =	sadd.f32 s5, s4;
	s8 =	spop (v2sf);
	(v2sf) =	vpush v7, $0x5  }
0x46: {  	v14 =	vadd.f32 v1, v0;
	s14 =	spop (v2sf);
	(v2sf) =	vpush v7, $0x3  }
0x47: {  	s4 =	sadd.f32 s4, s24;
	s9 =	spop (v2sf);
	(v2sf) =	vpush v7, $0x7  }
0x48: {  	s16 =	spop (v2sf);
	(v2sf) =	vpush v14, $0x4  }
0x49: {  	s4 =	sadd.f32 s4, s6;
	s18 =	spop (v2sf);
	(v2sf) =	vpush v7, $0x4  }
0x4a: {  	v0 =	vld [tilespmem:s22+$0x4080];
	s12 =	spop (v2sf);
	(v2sf) =	vpush v7, $0xB  }
0x4b: {  	s4 =	sadd.f32 s4, s23;
	s25 =	spop (v2sf);
	(v2sf) =	vpush v7, $0x2  }
0x4c: {  	v1 =	vld [tilespmem:s22+$0x4090];
	s13 =	spop (v2sf);
	(v2sf) =	vpush v14, $0x2  }
0x4d: {  	s4 =	sadd.f32 s4, s8;
	s11 =	spop (v2sf);
	(v2sf) =	vpush v7, $0xA  }
0x4e: {  	v4 =	vld [tilespmem:s22+$0x40A0];
	(v2sf) =	vpush v7, $0x0;
	s10 =	spop (v2sf)  }
0x4f: {  	v0 =	vmul.f32 v0, v10;
	s4 =	sadd.f32 s4, s14;
	(v2sf) =	vpush v14, $0xF;
	s2 =	spop (v2sf)  }
0x50: {  	v6 =	vld [tilespmem:s22+$0x40B0];
	(v2sf) =	vpush v14, $0x0;
	s5 =	spop (v2sf)  }
0x51: {  	v13 =	vmul.f32 v1, v13;
	v0 =	vadd.f32 $0.0e+00, v0;
	s16 =	sadd.f32 s4, s16;
	(v2sf) =	vpush v14, $0x1;
	s26 =	spop (v2sf)  }
0x52: {  	s3 =	simm.s32 $0x100;
	v10 =	vld [tilespmem:s22+$0x40C0];
	(v2sf) =	vpush v7, $0x1;
	s6 =	spop (v2sf)  }
0x53: {  	v3 =	vld [tilespmem:s3+$0x90];
	v4 =	vmul.f32 v4, v9;
	v13 =	vadd.f32 v13, v0;
	s16 =	sadd.f32 s16, s18;
	(v2sf) =	vpush v14, $0x3;
	s15 =	spop (v2sf)  }
0x54: {  	v9 =	vld [tilespmem:s22+$0x40D0];
	[dreg:$0x8] =	wrdreg s15;
	s8 =	spop (v2sf)  }
0x55: {  	v6 =	vmul.f32 v6, v11;
	v1 =	vld [tilespmem:s3+$0x80];
	v11 =	vadd.f32 v4, v13;
	(v2sf) =	vpush v7, $0x9;
	s1 =	sadd.f32 s16, s25;
	s15 =	spop (v2sf)  }
0x56: {  	v13 =	vld [tilespmem:s22+$0x40E0];
	[dreg:$0x7] =	wrdreg s6;
	(v2sf) =	vpush v14, $0x5;
	s6 =	spop (v2sf)  }
0x57: {  	v0 =	vld [tilespmem:s3+$0xA0];
	v5 =	vmul.f32 v10, v5;
	v6 =	vadd.f32 v6, v11;
	(v2sf) =	vpush v14, $0x6;
	s1 =	sadd.f32 s1, s13;
	s19 =	spop (v2sf)  }
0x58: {  	v10 =	vld [tilespmem:s22+$0x40F0];
	(v2sf) =	vpush v14, $0xC;
	s14 =	spop (v2sf)  }
0x59: {  	v2 =	vmul.f32 v9, v2;
	v4 =	vld [tilespmem:s3+$0xB0];
	v5 =	vadd.f32 v5, v6;
	(v2sf) =	vpush v14, $0x7;
	s1 =	sadd.f32 s1, s12;
	s4 =	spop (v2sf)  }
0x5a: {  	v11 =	vmul.f32 v3, v3;
	(v2sf) =	vpush v7, $0xC;
	v7 =	vmul.f32 v1, v1;
	s17 =	spop (v2sf)  }
0x5b: {  	v6 =	vld [tilespmem:s3+$0xC0];
	v2 =	vadd.f32 v2, v5;
	v5 =	vmul.f32 v13, v8;
	(v2sf) =	vpush v14, $0x8;
	s1 =	sadd.f32 s1, s9;
	s20 =	spop (v2sf)  }
0x5c: {  	v9 =	vmul.f32 v0, v0;
	v11 =	vadd.f32 v11, v7;
	s7 =	spop (v2sf)  }
0x5d: {  	v10 =	vmul.f32 v10, v12;
	v2 =	vadd.f32 v5, v2;
	(v2sf) =	vpush v14, $0xB;
	v7 =	vld [tilespmem:s3+$0xD0];
	s1 =	sadd.f32 s1, s11;
	s21 =	spop (v2sf)  }
0x5e: {  	v8 =	vmul.f32 v4, v4;
	(v2sf) =	vpush v14, $0x9;
	v9 =	vadd.f32 v9, v11;
	s16 =	spop (v2sf)  }
0x5f: {  	v5 =	vld [tilespmem:s3+$0xE0];
	v10 =	vadd.f32 v10, v2;
	(v2sf) =	vpush v14, $0xA;
	s1 =	sadd.f32 s1, s10;
	s18 =	spop (v2sf)  }
0x60: {  	[dreg:$0x5] =	wrdreg s26;
	v8 =	vadd.f32 v8, v9;
	v9 =	vmul.f32 v6, v6;
	s22 =	spop (v2sf);
	(v2sf) =	vpush v14, $0xD  }
0x61: {  	v11 =	vld [tilespmem:s3+$0xF0];
	s0 =	sadd.f32 s1, s0;
	s23 =	spop (v2sf);
	(v2sf) =	vpush v14, $0xE  }
0x62: {  	v2 =	vmul.f32 v7, v7;
	s13 =	sadd.f32 s22, s18;
	v8 =	vadd.f32 v9, v8;
	s24 =	spop (v2sf);
	(v2sf) =	vpush v10, $0x8  }
0x63: {  	s21 =	sadd.f32 s23, s21;
	s0 =	smax.f32 s0, $1.000000020e-24;
	(v2sf) =	vpush v10, $0x6  }
0x64: {  	v9 =	vmul.f32 v5, v5;
	s12 =	spop (v2sf);
	s25 =	sadd.f32 s13, s20;
	v2 =	vadd.f32 v2, v8;
	(v2sf) =	vpush v10, $0xF  }
0x65: {  	s29 =	smul.f32 $5.000000000e-01, s0;
	s26 =	spop (v2sf);
	(v2sf) =	vpush v10, $0xE  }
0x66: {  	v8 =	vmul.f32 v11, v11;
	s18 =	sadd.f32 s21, s17;
	s23 =	spop (v2sf);
	v2 =	vadd.f32 v9, v2;
	(v2sf) =	vpush v10, $0xD  }
0x67: {  	s9 =	sadd.f32 s25, s24;
	s25 =	spop (v2sf);
	(v2sf) =	vpush v10, $0x5  }
0x68: {  	s10 =	sadd.f32 s18, s15;
	s22 =	spop (v2sf);
	v2 =	vadd.f32 v8, v2;
	(v2sf) =	vpush v10, $0x3  }
0x69: {  	s21 =	sshrl.u32 s0, $0x1;
	s19 =	sadd.f32 s9, s19;
	s11 =	spop (v2sf);
	(v2sf) =	vpush v10, $0x7  }
0x6a: {  	s10 =	sadd.f32 s10, s14;
	s14 =	ssub.s32 $0x5F3759DF, s21;
	s17 =	spop (v2sf);
	(v2sf) =	vpush v2, $0x4  }
0x6b: {  	s1 =	sadd.f32 s19, s26;
	s24 =	smul.f32 s14, s29;
	(v2sf) =	vpush v10, $0x4  }
0x6c: {  	s13 =	spop (v2sf);
	s8 =	sadd.f32 s10, s8;
	(v2sf) =	vpush v10, $0xB  }
0x6d: {  	s9 =	spop (v2sf);
	s23 =	sadd.f32 s1, s23;
	(v2sf) =	vpush v10, $0x2  }
0x6e: {  	v16 =	vld [tilespmem:s3+$0x40E0];
	s18 =	smul.f32 s14, s24;
	s26 =	spop (v2sf);
	(v2sf) =	vpush v2, $0x2  }
0x6f: {  	v15 =	vld [tilespmem:s3+$0x40A0];
	s5 =	sadd.f32 s8, s5;
	s0 =	spop (v2sf);
	(v2sf) =	vpush v10, $0xA  }
0x70: {  	v17 =	vld [tilespmem:s3+$0x4090];
	s15 =	sadd.f32 s23, s22;
	(v2sf) =	vpush v10, $0x0;
	s1 =	spop (v2sf)  }
0x71: {  	v12 =	vld [tilespmem:s3+$0x40B0];
	s8 =	ssub.f32 $1.500000000e+00, s18;
	(v2sf) =	vpush v2, $0xF;
	s19 =	spop (v2sf)  }
0x72: {  	v13 =	vld [tilespmem:s3+$0x40C0];
	s5 =	sadd.f32 s5, s6;
	(v2sf) =	vpush v2, $0x0;
	s23 =	spop (v2sf)  }
0x73: {  	v9 =	vld [tilespmem:s3+$0x4080];
	s22 =	sadd.f32 s15, s17;
	(v2sf) =	vpush v2, $0x1;
	s21 =	spop (v2sf)  }
0x74: {  	v14 =	vld [tilespmem:s3+$0x40F0];
	s20 =	simm.s32 $0x180;
	[dreg:$0x6] =	wrdreg s21;
	(v2sf) =	vpush v10, $0x1;
	s21 =	spop (v2sf)  }
0x75: {  	v18 =	vld [tilespmem:s20+$0xC0];
	s2 =	sadd.f32 s5, s2;
	s24 =	spop (v2sf);
	(v2sf) =	vpush v2, $0x3  }
0x76: {  	v17 =	vmul.f32 v17, v3;
	v3 =	vld [tilespmem:s20+$0x90];
	s5 =	smul.f32 s14, s8;
	s31 =	spop (v2sf);
	(v2sf) =	vpush v10, $0x9  }
0x77: {  	v8 =	vld [tilespmem:s3+$0x40D0];
	s6 =	sadd.f32 s22, s9;
	s10 =	spop (v2sf)  }
0x78: {  	v22 =	vld [tilespmem:s20+$0x80];
	v1 =	vmul.f32 v9, v1;
	s2 =	sadd.f32 s2, s12;
	s28 =	spop (v2sf)  }
0x79: {  	v19 =	vld [tilespmem:s20+$0x40D0];
	s14 =	smul.f32 s5, s29;
	(v2sf) =	vpush v2, $0x5;
	s9 =	spop (v2sf)  }
0x7a: {  	v20 =	vld [tilespmem:s20+$0x4080];
	v21 =	vadd.f32 $0.0e+00, v1;
	s3 =	sadd.f32 s6, s26;
	(v2sf) =	vpush v2, $0x6;
	s12 =	spop (v2sf)  }
0x7b: {  	v0 =	vmul.f32 v15, v0;
	v23 =	vmul.f32 v3, v3;
	v9 =	vld [tilespmem:s20+$0xB0];
	s2 =	sadd.f32 s2, s7;
	(v2sf) =	vpush v2, $0xC;
	s22 =	spop (v2sf)  }
0x7c: {  	v1 =	vld [tilespmem:s20+$0xA0];
	v8 =	vmul.f32 v8, v7;
	v17 =	vadd.f32 v17, v21;
	s6 =	smul.f32 s14, s5;
	(v2sf) =	vpush v2, $0x7;
	s7 =	spop (v2sf)  }
0x7d: {  	v7 =	vmul.f32 v14, v11;
	v11 =	vmul.f32 v22, v22;
	s2 =	sadd.f32 s2, s4;
	(v2sf) =	vpush v10, $0xC;
	v10 =	vld [tilespmem:s20+$0x40B0];
	s4 =	spop (v2sf)  }
0x7e: {  	v4 =	vmul.f32 v12, v4;
	v15 =	vld [tilespmem:s20+$0xD0];
	v12 =	vadd.f32 v0, v17;
	s26 =	spop (v2sf)  }
0x7f: {  	v6 =	vmul.f32 v13, v6;
	v62 =	vld [tilespmem:s20+$0x40C0];
	v20 =	vmul.f32 v20, v22;
	v63 =	vadd.f32 v23, v11;
	s6 =	ssub.f32 $1.500000000e+00, s6;
	s8 =	spop (v2sf)  }
0x80: {  	v14 =	vmul.f32 v18, v18;
	v0 =	vld [tilespmem:s20+$0xE0];
	v12 =	vadd.f32 v4, v12;
	s11 =	sadd.f32 s2, s11;
	(v2sf) =	vpush v2, $0x8;
	s2 =	spop (v2sf)  }
0x81: {  	v13 =	vmul.f32 v9, v9;
	v17 =	vmul.f32 v1, v1;
	s3 =	sadd.f32 s3, s13;
	(v2sf) =	vpush v2, $0xB;
	s15 =	spop (v2sf)  }
0x82: {  	s5 =	smul.f32 s6, s5;
	(v2sf) =	vpush v2, $0x9;
	v4 =	vmul.f32 v10, v9;
	v9 =	vadd.f32 v6, v12;
	s17 =	spop (v2sf)  }
0x83: {  	v17 =	vadd.f32 v17, v63;
	(v2sf) =	vpush v2, $0xA;
	v12 =	vmul.f32 v19, v15;
	s13 =	sadd.f32 s17, s15;
	s18 =	spop (v2sf)  }
0x84: {  	s30 =	simm.f32 $0.0e+00;
	v11 =	vld [tilespmem:s20+$0x40E0];
	v15 =	vmul.f32 v15, v15;
	v9 =	vadd.f32 v8, v9;
	v8 =	vmul.f32 v16, v5;
	s8 =	sadd.f32 s18, s8;
	s14 =	spop (v2sf)  }
0x85: {  	s6 =	simm.s32 $0x800;
	v6 =	vadd.f32 $0.0e+00, v20;
	v10 =	vld [tilespmem:s20+$0xF0];
	v5 =	vmul.f32 v62, v18;
	v16 =	vmul.f32 v0, v0;
	s15 =	sadd.f32 s13, s4;
	s4 =	spop (v2sf)  }
.LBB2_2:
0x86: {  	s18 =	sadd.s32 $0x200, s6;
	s3 =	sadd.f32 s3, s25  }
0x87: {  	[dreg:$0x9] =	wrdreg s18  }
0x88: {  	s13 =	smov.u32 s6;
	p0 =	sne.s32 s6, $0xFE00;
	s6 =	sadd.f32 s15, s14  }
0x89: {  	s8 =	sadd.f32 s8, s7  }
0x8a: {  	s7 =	rddreg [dreg:$0x8]  }
0x8b: {  	s0 =	sadd.f32 s3, s0  }
0x8c: {  	s3 =	sadd.f32 s11, s7  }
0x8d: {  	s11 =	smov.u32 s24;
	s24 =	rddreg [dreg:$0x7]  }
0x8e: {  	s9 =	sadd.f32 s6, s9  }
0x8f: {  	[dreg:$0x8] =	wrdreg s11  }
0x90: {  	v18 =	vadd.f32 v8, v9;
	s14 =	smul.f32 s5, s29;
	s0 =	sadd.f32 s0, s1  }
0x91: {  	v9 =	vmov v12;
	v12 =	vadd.f32 v13, v17;
	s7 =	sadd.f32 s3, s24;
	s17 =	spop (v2sf)  }
0x92: {  	v8 =	vmov v11;
	v11 =	vadd.f32 v7, v18;
	s24 =	smov.u32 s21;
	s21 =	sadd.f32 s8, s10;
	(v2sf) =	vpush v2, $0xD;
	s15 =	spop (v2sf)  }
0x93: {  	[dreg:$0x7] =	wrdreg s24;
	s25 =	spop (v2sf);
	(v2sf) =	vpush v2, $0xE  }
0x94: {  	s14 =	smul.f32 s14, s5;
	v7 =	vadd.f32 v14, v12;
	s0 =	sadd.f32 s0, s16;
	(v2sf) =	vpush v11, $0x8  }
0x95: {  	s16 =	smov.u32 s2;
	s2 =	sadd.f32 s9, s17;
	s18 =	spop (v2sf);
	(v2sf) =	vpush v11, $0x6  }
0x96: {  	s9 =	sadd.f32 s21, s12;
	v2 =	vadd.f32 v15, v7;
	s11 =	spop (v2sf);
	(v2sf) =	vpush v11, $0xF  }
0x97: {  	s17 =	rddreg [dreg:$0x5];
	s1 =	spop (v2sf);
	(v2sf) =	vpush v11, $0xE  }
0x98: {  	v13 =	vmul.f32 v10, v10;
	s7 =	sadd.f32 s7, s17;
	v2 =	vadd.f32 v16, v2;
	s3 =	spop (v2sf);
	(v2sf) =	vpush v11, $0xD  }
0x99: {  	s12 =	sadd.f32 s2, s15;
	s6 =	spop (v2sf);
	(v2sf) =	vpush v11, $0x5  }
0x9a: {  	s0 =	smax.f32 s0, $1.000000020e-24;
	s9 =	sadd.f32 s9, s31;
	v2 =	vadd.f32 v13, v2;
	(v2sf) =	vpush v11, $0x3  }
0x9b: {  	s2 =	ssub.f32 $1.500000000e+00, s14;
	s8 =	spop (v2sf);
	(v2sf) =	vpush v11, $0x7  }
0x9c: {  	s24 =	sshrl.u32 s0, $0x1;
	s29 =	smul.f32 $5.000000000e-01, s0;
	s0 =	sadd.f32 s12, s18;
	(v2sf) =	vpush v2, $0x4  }
0x9d: {  	s9 =	sadd.f32 s9, s23;
	(v2sf) =	vpush v11, $0x4  }
0x9e: {  	s18 =	rddreg [dreg:$0x6];
	(v2sf) =	vpush v11, $0xB  }
0x9f: {  	s10 =	ssub.s32 $0x5F3759DF, s24;
	s2 =	smul.f32 s2, s5;
	s1 =	sadd.f32 s0, s1;
	(v2sf) =	vpush v11, $0x2  }
0xa0: {  	s15 =	smul.f32 s10, s29;
	s21 =	smov.u32 s18;
	s9 =	sadd.f32 s9, s28;
	(v2sf) =	vpush v2, $0x2  }
0xa1: {  	[dreg:$0x5] =	wrdreg s21;
	s0 =	spop (v2sf);
	(v2sf) =	vpush v11, $0xA  }
0xa2: {  	s14 =	sadd.f32 s1, s6;
	(v2sf) =	vpush v11, $0x0;
	s1 =	spop (v2sf)  }
0xa3: {  	v17 =	vld [tilespmem:s20+$0x40F0];
	s2 =	smul.f32 s2, s7;
	(v2sf) =	vpush v2, $0xF;
	s5 =	spop (v2sf)  }
0xa4: {  	s12 =	smul.f32 s10, s15;
	(v2sf) =	vpush v2, $0x0;
	s23 =	spop (v2sf)  }
0xa5: {  	s15 =	sadd.f32 s9, s19;
	(v2sf) =	vpush v2, $0x1;
	s24 =	spop (v2sf)  }
0xa6: {  	s6 =	ssub.f32 $1.500000000e+00, s12;
	(v2sf) =	vpush v11, $0x1;
	s21 =	spop (v2sf)  }
0xa7: {  	v12 =	vld [tilespmem:s20+$0x4090];
	[dreg:$0x6] =	wrdreg s24;
	s24 =	spop (v2sf)  }
0xa8: {  	v7 =	vmul.f32 v17, v10;
	v10 =	vld [tilespmem:s20+$0x40A0];
	s20 =	sshra.s32 s13, $0x2;
	s30 =	sadd.f32 s2, s30;
	(v2sf) =	vpush v2, $0x3;
	s31 =	spop (v2sf)  }
0xa9: {  	v17 =	vld [tilespmem:s20+$0xB0];
	s6 =	smul.f32 s10, s6;
	(v2sf) =	vpush v11, $0x9;
	s10 =	spop (v2sf)  }
0xaa: {  	v18 =	vld [tilespmem:s20+$0x4080];
	s4 =	sadd.f32 s15, s4;
	s28 =	spop (v2sf)  }
0xab: {  	v19 =	vld [tilespmem:s20+$0x80];
	s17 =	smul.f32 s6, s29;
	s9 =	spop (v2sf)  }
0xac: {  	v12 =	vmul.f32 v12, v3;
	v3 =	vld [tilespmem:s20+$0x90];
	s8 =	sadd.f32 s14, s8;
	s12 =	spop (v2sf)  }
0xad: {  	v14 =	vld [tilespmem:s20+$0xA0];
	s2 =	smul.f32 s17, s6;
	s18 =	spop (v2sf)  }
0xae: {  	v6 =	vadd.f32 v12, v6;
	v12 =	vmul.f32 v10, v1;
	v10 =	vld [tilespmem:s20+$0x40B0];
	s4 =	sadd.f32 s4, s26;
	s7 =	spop (v2sf)  }
0xaf: {  	v8 =	vmul.f32 v8, v0;
	v15 =	vld [tilespmem:s20+$0x40D0];
	s2 =	ssub.f32 $1.500000000e+00, s2;
	s15 =	spop (v2sf)  }
0xb0: {  	v16 =	vld [tilespmem:s20+$0xC0];
	v13 =	vmul.f32 v17, v17;
	v6 =	vadd.f32 v12, v6;
	s4 =	sadd.f32 s4, s22;
	(v2sf) =	vpush v2, $0x5;
	s26 =	spop (v2sf)  }
0xb1: {  	v20 =	vld [tilespmem:s20+$0xD0];
	v24 =	vmul.f32 v3, v3;
	v12 =	vmul.f32 v19, v19;
	s19 =	smov.u32 s5;
	s5 =	smul.f32 s2, s6;
	(v2sf) =	vpush v2, $0x6;
	s6 =	spop (v2sf)  }
0xb2: {  	v21 =	vld [tilespmem:s20+$0x40C0];
	v18 =	vmul.f32 v18, v19;
	v6 =	vadd.f32 v4, v6;
	s3 =	sadd.f32 s8, s3;
	(v2sf) =	vpush v2, $0xC;
	s2 =	spop (v2sf)  }
0xb3: {  	v23 =	vld [tilespmem:s20+$0xE0];
	v1 =	vmovc v14;
	v4 =	vmul.f32 v10, v17;
	v17 =	vadd.f32 v24, v12;
	s11 =	sadd.f32 s4, s11;
	(v2sf) =	vpush v2, $0x7;
	s14 =	spop (v2sf)  }
.Ltmp0:
0xb4: {  	v22 =	vmul.f32 v14, v1;
	v5 =	vadd.f32 v5, v6;
	(v2sf) =	vpush v11, $0xC;
	s17 =	spop (v2sf);
	(pc) =	sbr.rel @p0 .LBB2_2-.Ltmp0, $4  }
0xb5: {  	v14 =	vmul.f32 v16, v16;
	v6 =	vadd.f32 $0.0e+00, v18;
	s22 =	smov.u32 s18;
	(v2sf) =	vpush v2, $0x8;
	s4 =	sadd.f32 s17, s14;
	s18 =	spop (v2sf)  }
0xb6: {  	v12 =	vmul.f32 v15, v20;
	v17 =	vadd.f32 v22, v17;
	(v2sf) =	vpush v2, $0xB;
	s8 =	sadd.f32 s18, s6  }
0xb7: {  	v10 =	vld [tilespmem:s20+$0xF0];
	v15 =	vmul.f32 v20, v20;
	v9 =	vadd.f32 v9, v5;
	(v2sf) =	vpush v2, $0x9;
	s14 =	spop (v2sf);
	s6 =	rddreg [dreg:$0x9]  }
0xb8: {  	v0 =	vmovc v23;
	v5 =	vmul.f32 v21, v16;
	v16 =	vmul.f32 v23, v23;
	v11 =	vld [tilespmem:s20+$0x40E0];
	(v2sf) =	vpush v2, $0xA;
	s15 =	sadd.f32 s4, s15;
	s4 =	spop (v2sf)  }
0xb9: {  	s3 =	sadd.f32 s3, s25  }
0xba: {  	v8 =	vadd.f32 v8, v9;
	s8 =	sadd.f32 s8, s7  }
0xbb: {  	s13 =	rddreg [dreg:$0x8]  }
0xbc: {  	(v2sf) =	vpush v2, $0xD;
	s6 =	sadd.f32 s15, s14;
	v7 =	vadd.f32 v7, v8  }
0xbd: {  	(v2sf) =	vpush v2, $0xE;
	s15 =	rddreg [dreg:$0x7]  }
0xbe: {  	v57 =	vadd.f32 v13, v17;
	s0 =	sadd.f32 s3, s0;
	(v2sf) =	vpush v7, $0x8  }
0xbf: {  	s6 =	sadd.f32 s6, s9;
	(v2sf) =	vpush v7, $0x6  }
0xc0: {  	v58 =	vadd.f32 v14, v57;
	s3 =	sadd.f32 s11, s13;
	(v2sf) =	vpush v7, $0xF;
	s13 =	spop (v2sf)  }
0xc1: {  	s17 =	smul.f32 s5, s29;
	s6 =	sadd.f32 s6, s13  }
0xc2: {  	v2 =	vadd.f32 v15, v58;
	s0 =	sadd.f32 s0, s1;
	(v2sf) =	vpush v7, $0xE;
	s14 =	spop (v2sf)  }
0xc3: {  	s11 =	spop (v2sf);
	s1 =	sadd.f32 s6, s14  }
0xc4: {  	v59 =	vmul.f32 v10, v10;
	v2 =	vadd.f32 v16, v2;
	s7 =	sadd.f32 s0, s16;
	(v2sf) =	vpush v7, $0xD;
	s0 =	spop (v2sf)  }
0xc5: {  	(v2sf) =	vpush v7, $0x5;
	s18 =	spop (v2sf);
	s0 =	sadd.f32 s1, s0  }
0xc6: {  	s3 =	sadd.f32 s3, s15;
	v2 =	vadd.f32 v59, v2;
	(v2sf) =	vpush v7, $0x3;
	s15 =	spop (v2sf)  }
0xc7: {  	(v2sf) =	vpush v7, $0x7;
	s25 =	spop (v2sf);
	s15 =	sadd.f32 s0, s15  }
0xc8: {  	s8 =	sadd.f32 s8, s10;
	(v2sf) =	vpush v2, $0x4;
	s13 =	spop (v2sf)  }
0xc9: {  	s29 =	smul.f32 s17, s5;
	(v2sf) =	vpush v7, $0x4;
	s15 =	sadd.f32 s15, s13  }
0xca: {  	s8 =	sadd.f32 s8, s12;
	(v2sf) =	vpush v7, $0xB;
	s12 =	spop (v2sf)  }
0xcb: {  	(v2sf) =	vpush v7, $0x2;
	s14 =	spop (v2sf);
	s15 =	sadd.f32 s15, s12  }
0xcc: {  	s16 =	sadd.f32 s8, s31;
	(v2sf) =	vpush v2, $0x2;
	s10 =	spop (v2sf)  }
0xcd: {  	(v2sf) =	vpush v7, $0xA;
	s9 =	spop (v2sf);
	s15 =	sadd.f32 s15, s25  }
0xce: {  	v60 =	vld [tilespmem:s20+$0x4090];
	s1 =	ssub.f32 $1.500000000e+00, s29;
	(v2sf) =	vpush v7, $0x0;
	s8 =	spop (v2sf)  }
0xcf: {  	(v2sf) =	vpush v2, $0xF;
	s31 =	spop (v2sf);
	s15 =	sadd.f32 s15, s11  }
0xd0: {  	v61 =	vld [tilespmem:s20+$0x40A0];
	(v2sf) =	vpush v2, $0x0;
	[dreg:$0xf] =	wrdreg s31  }
0xd1: {  	(v2sf) =	vpush v2, $0x1;
	s17 =	spop (v2sf);
	s31 =	rddreg [dreg:$0x5]  }
0xd2: {  	s29 =	smul.f32 s1, s5;
	[dreg:$0x10] =	wrdreg s17  }
0xd3: {  	v3 =	vmul.f32 v60, v3;
	(v2sf) =	vpush v7, $0x1;
	s17 =	sadd.f32 s16, s23;
	s23 =	spop (v2sf)  }
0xd4: {  	[dreg:$0x11] =	wrdreg s23;
	s16 =	spop (v2sf)  }
0xd5: {  	v1 =	vmul.f32 v61, v1;
	v3 =	vadd.f32 v3, v6;
	s23 =	sadd.f32 s17, s28;
	s17 =	spop (v2sf)  }
0xd6: {  	(v2sf) =	vpush v2, $0x3;
	s1 =	sadd.f32 s3, s31;
	s13 =	spop (v2sf)  }
0xd7: {  	v1 =	vadd.f32 v1, v3;
	(v2sf) =	vpush v7, $0x9;
	s28 =	sadd.f32 s23, s19;
	s23 =	spop (v2sf)  }
0xd8: {  	s14 =	sadd.f32 s15, s14;
	(v2sf) =	vpush v2, $0x5;
	s19 =	spop (v2sf)  }
0xd9: {  	v1 =	vadd.f32 v4, v1;
	(v2sf) =	vpush v2, $0x6;
	s4 =	sadd.f32 s28, s4;
	s3 =	spop (v2sf)  }
0xda: {  	v62 =	vld [tilespmem:s20+$0x40F0];
	s5 =	smul.f32 s29, s1;
	(v2sf) =	vpush v2, $0xC;
	s20 =	spop (v2sf)  }
0xdb: {  	v1 =	vadd.f32 v5, v1;
	(v2sf) =	vpush v2, $0x7;
	s26 =	sadd.f32 s4, s26;
	s6 =	spop (v2sf)  }
0xdc: {  	(v2sf) =	vpush v7, $0xC;
	s4 =	sadd.f32 s5, s30;
	s5 =	spop (v2sf)  }
0xdd: {  	v0 =	vmul.f32 v11, v0;
	v1 =	vadd.f32 v12, v1;
	s14 =	sadd.f32 s14, s10;
	(v2sf) =	vpush v2, $0x8;
	s29 =	spop (v2sf)  }
0xde: {  	(v2sf) =	vpush v2, $0xB;
	s22 =	sadd.f32 s26, s22;
	s12 =	spop (v2sf)  }
0xdf: {  	v3 =	vmul.f32 v62, v10;
	v0 =	vadd.f32 v0, v1;
	s28 =	sadd.f32 s14, s2;
	(v2sf) =	vpush v2, $0x9;
	s30 =	spop (v2sf)  }
0xe0: {  	(v2sf) =	vpush v2, $0xA;
	s18 =	sadd.f32 s22, s18;
	s31 =	spop (v2sf)  }
0xe1: {  	v0 =	vadd.f32 v3, v0;
	(v2sf) =	vpush v2, $0xD;
	s22 =	sadd.f32 s31, s30  }
0xe2: {  	(v2sf) =	vpush v2, $0xE;
	s0 =	spop (v2sf);
	s18 =	sadd.f32 s18, s24  }
0xe3: {  	(v2sf) =	vpush v0, $0x8;
	s25 =	sadd.f32 s0, s29  }
0xe4: {  	s7 =	smax.f32 s7, $1.000000020e-24;
	(v2sf) =	vpush v0, $0x6;
	s22 =	sadd.f32 s22, s6  }
0xe5: {  	s1 =	spop (v2sf);
	s18 =	sadd.f32 s18, s21  }
0xe6: {  	(v2sf) =	vpush v0, $0xF;
	s11 =	spop (v2sf);
	s20 =	sadd.f32 s25, s20  }
0xe7: {  	(v2sf) =	vpush v0, $0xE;
	s6 =	spop (v2sf);
	s22 =	sadd.f32 s22, s1  }
0xe8: {  	(v2sf) =	vpush v0, $0xD;
	s25 =	spop (v2sf);
	s26 =	sadd.f32 s20, s17  }
0xe9: {  	(v2sf) =	vpush v0, $0x5;
	s15 =	spop (v2sf);
	s22 =	sadd.f32 s22, s23  }
0xea: {  	(v2sf) =	vpush v0, $0x3;
	s30 =	spop (v2sf);
	s14 =	sadd.f32 s26, s19  }
0xeb: {  	s10 =	spop (v2sf);
	s1 =	sadd.f32 s22, s6  }
0xec: {  	(v2sf) =	vpush v0, $0x7;
	s31 =	spop (v2sf);
	s16 =	sadd.f32 s14, s16  }
0xed: {  	(v2sf) =	vpush v0, $0x4;
	s23 =	spop (v2sf);
	s2 =	sadd.f32 s1, s25  }
0xee: {  	(v2sf) =	vpush v0, $0xB;
	s0 =	spop (v2sf);
	s16 =	sadd.f32 s16, s8  }
0xef: {  	(v2sf) =	vpush v0, $0x2;
	s6 =	spop (v2sf);
	s30 =	sadd.f32 s2, s30  }
0xf0: {  	(v2sf) =	vpush v0, $0xA;
	s20 =	spop (v2sf);
	s16 =	sadd.f32 s16, s13  }
0xf1: {  	(v2sf) =	vpush v0, $0x0;
	s25 =	spop (v2sf);
	s19 =	sadd.f32 s30, s31  }
0xf2: {  	(v2sf) =	vpush v0, $0x1;
	s17 =	spop (v2sf);
	s31 =	rddreg [dreg:$0x6]  }
0xf3: {  	s24 =	spop (v2sf);
	s13 =	sadd.f32 s18, s31  }
0xf4: {  	s31 =	smul.f32 $5.000000000e-01, s7;
	s9 =	sadd.f32 s16, s9  }
0xf5: {  	s2 =	spop (v2sf);
	s19 =	sadd.f32 s19, s0  }
0xf6: {  	s1 =	sshrl.u32 s7, $0x1;
	s14 =	spop (v2sf);
	s9 =	sadd.f32 s9, s11  }
0xf7: {  	s22 =	ssub.s32 $0x5F3759DF, s1;
	s8 =	spop (v2sf);
	s19 =	sadd.f32 s19, s6  }
0xf8: {  	s6 =	smul.f32 s22, s31;
	s21 =	spop (v2sf)  }
0xf9: {  	s5 =	sadd.f32 s9, s5;
	s26 =	spop (v2sf)  }
0xfa: {  	s19 =	sadd.f32 s19, s23;
	s0 =	smul.f32 s22, s6  }
0xfb: {  	s18 =	spop (v2sf);
	s3 =	sadd.f32 s5, s3  }
0xfc: {  	s29 =	spop (v2sf);
	s0 =	ssub.f32 $1.500000000e+00, s0  }
0xfd: {  	s15 =	sadd.f32 s19, s15;
	s7 =	spop (v2sf)  }
0xfe: {  	s3 =	sadd.f32 s3, s10;
	s30 =	spop (v2sf)  }
0xff: {  	s15 =	sadd.f32 s15, s20;
	s1 =	spop (v2sf)  }
0x100: {  	s0 =	smul.f32 s22, s0;
	s23 =	spop (v2sf)  }
0x101: {  	(v2sf) =	vpush v0, $0x9;
	s15 =	sadd.f32 s15, s25;
	s6 =	spop (v2sf)  }
0x102: {  	s6 =	sadd.f32 s6, s23  }
0x103: {  	s23 =	smul.f32 s0, s31;
	s12 =	sadd.f32 s15, s12  }
0x104: {  	s22 =	smax.f32 s28, $1.000000020e-24;
	s6 =	sadd.f32 s6, s30  }
0x105: {  	s20 =	smul.f32 s23, s0;
	s12 =	smax.f32 s12, $1.000000020e-24  }
0x106: {  	s28 =	sshrl.u32 s22, $0x1;
	s23 =	sshrl.u32 s12, $0x1;
	s12 =	smul.f32 $5.000000000e-01, s12  }
0x107: {  	s19 =	smul.f32 $5.000000000e-01, s22;
	s6 =	sadd.f32 s6, s26;
	s16 =	ssub.s32 $0x5F3759DF, s23  }
0x108: {  	s22 =	ssub.s32 $0x5F3759DF, s28;
	s20 =	ssub.f32 $1.500000000e+00, s20;
	s25 =	smul.f32 s16, s12  }
0x109: {  	s6 =	sadd.f32 s6, s29;
	s29 =	smul.f32 s22, s19  }
0x10a: {  	s23 =	rddreg [dreg:$0x10];
	s28 =	smul.f32 s16, s25  }
0x10b: {  	(v2sf) =	vpush v0, $0xC;
	s25 =	rddreg [dreg:$0xf];
	s30 =	smul.f32 s22, s29  }
0x10c: {  	s0 =	smul.f32 s20, s0;
	s6 =	sadd.f32 s6, s21  }
0x10d: {  	s15 =	ssub.f32 $1.500000000e+00, s30  }
0x10e: {  	s29 =	smul.f32 s0, s31;
	s6 =	sadd.f32 s6, s24  }
0x10f: {  	s9 =	ssub.f32 $1.500000000e+00, s28;
	s15 =	smul.f32 s22, s15  }
0x110: {  	s31 =	spop (v2sf);
	s6 =	sadd.f32 s6, s18  }
0x111: {  	s21 =	rddreg [dreg:$0x11];
	s26 =	smul.f32 s15, s19  }
0x112: {  	s9 =	smul.f32 s16, s9;
	s6 =	sadd.f32 s6, s17  }
0x113: {  	s3 =	sadd.f32 s3, s21;
	s30 =	smul.f32 s26, s15  }
0x114: {  	s16 =	smul.f32 s29, s0;
	s5 =	sadd.f32 s6, s31  }
0x115: {  	s18 =	smul.f32 s9, s12;
	s17 =	ssub.f32 $1.500000000e+00, s30  }
0x116: {  	s1 =	sadd.f32 s5, s1  }
0x117: {  	s6 =	ssub.f32 $1.500000000e+00, s16;
	s5 =	smul.f32 s18, s9  }
0x118: {  	s11 =	smul.f32 s17, s15;
	s1 =	sadd.f32 s1, s7  }
0x119: {  	s0 =	smul.f32 s6, s0;
	s5 =	ssub.f32 $1.500000000e+00, s5  }
0x11a: {  	s22 =	spop (v2sf);
	s20 =	smul.f32 s11, s19  }
0x11b: {  	s5 =	smul.f32 s5, s9;
	s1 =	sadd.f32 s1, s22  }
0x11c: {  	s3 =	sadd.f32 s3, s23;
	s6 =	smul.f32 s20, s11  }
0x11d: {  	s1 =	sadd.f32 s1, s8;
	s24 =	smul.f32 s5, s12  }
0x11e: {  	s0 =	smul.f32 s0, s13;
	s6 =	ssub.f32 $1.500000000e+00, s6  }
0x11f: {  	s3 =	sadd.f32 s3, s25;
	s7 =	smul.f32 s24, s5  }
0x120: {  	s1 =	sadd.f32 s1, s14;
	s6 =	smul.f32 s6, s11  }
0x121: {  	s7 =	ssub.f32 $1.500000000e+00, s7  }
0x122: {  	s0 =	sadd.f32 s0, s4;
	s3 =	smul.f32 s6, s3  }
0x123: {  	s1 =	sadd.f32 s1, s2;
	s26 =	smul.f32 s7, s5  }
0x124: {  	_ = 	snop  }
0x125: {  	s0 =	sadd.f32 s3, s0;
	s1 =	smul.f32 s26, s1  }
0x126: {  	_ = 	snop  }
0x127: {  	s0 =	sadd.f32 s1, s0;
	_ =	sdelay $0x1  }
0x128: {  	v63 =	vmov s0  }
0x129: {  	v0 =	vmul.f32 $6.250000000e-02, v63;
	_ =	sdelay $0x1  }
0x12a: {  	v0 =	vbroadcast v0, $0x0  }
0x12b: {  	s28 =	rddreg [dreg:$0xc]  }
0x12c: {  	s29 =	simm.s32 $0x8080;
	s7 =	simm.s32 $0x0;
	s1 =	simm.s32 $0x2;
	[tilespmem:$0x8080] =	vst v0  }
0x12d: {  	[hbm4b:s28+s7] =	stream.linear.scatter [tilespmem:s29], [sflag:$0x2], $0x80, $0x38;
	[tilespmem:$0x8100] =	vst v63  }
0x12e: {  	_ =	swait.ge [sflag:s1], $0x80  }
0x12f: {  	s30 =	rddreg [dreg:$0xe]  }
0x130: {  	s31 =	rddreg [dreg:$0xd];
	s2 =	sadd.s32 $0x1, s30  }
0x131: {  	p0 =	sne.s32 s2, s31  }
.Ltmp1:
0x132: {  	_ = 	snop;
	(pc) =	sbr.rel @p0 .LBB2_1-.Ltmp1, $3  }
0x133: {  	_ =	sdelay $0x1  }
0x134: {  	[sflag:s1] =	ssyncset.done $0x0  }
0x135: {  	[sflag:s1] =	ssyncadd.s32 $0xFFFFFF80  }
0x136: {  	_ =	sfence.sel $0x180000  }
0x137: {  	[bflag:$0x0] =	sbarrier.arrive $0xFFFF  }
0x138: {  	_ =	strace $0x90000047  }
0x139: {  	s0 =	stileid.u32;
	[bflag:$0x2] =	sbarrier.arrive $0xFFFF  }
0x13a: {  	p0 =	sne.s32 s0, $0x0;
	s0 =	rddreg [dreg:$0x4]  }
0x13b: {  	s0 =	sadd.s32 @!p0 $0x100000, s0  }
0x13c: {  	[sflag:s0] =	ssyncadd.tile.s32 @!p0 $0x1;
	_ =	shalt  }
.Lfunc_end2:
_tile_overlayer_lowered:
.L_overlay_start_2:
0x13d: {  	(tag) =	ssettag $0x2  }
0x13e: {  	s0 =	rddreg [dreg:$0x0];
	s2 =	stileid.u32  }
0x13f: {  	s1 =	rddreg [dreg:$0x1];
	p0 =	sne.s32 s2, $0x0  }
0x140: {  	s3 =	rddreg [dreg:$0x2];
	[bflag:$0x3] =	sbarrier.arrive $0xFFFF;
	s2 =	simm.s32 @!p0 $0x1C02  }
0x141: {  	[timem:s3], [sflag:s2] =	dma.local @!p0 [hbm:s0], s1  }
0x142: {  	s0 =	simm.s32 @!p0 $0x2  }
0x143: {  	_ =	swait.ge @!p0 [sflag:s0], s1  }
0x144: {  	s1 =	ssub.s32 @!p0 $0x0, s1;
	[sflag:s0] =	ssyncset.done @!p0 $0x0  }
0x145: {  	[sflag:s0] =	ssyncadd.s32 @!p0 s1  }
0x146: {  	[bflag:$0x3] =	sbarrier.arrive $0xFFFF  }
0x147: {  	_ =	shalt  }

</sc_bundles>
